<compile_context>
chip_gen: v7x
topology: tpu7x:2x2x1
jax: 0.10.2.dev20260603
libtpu: 0.0.44.dev20260713+nightly
codegen_flags: <defaults>
</compile_context>

<pallas_src>
import functools

import jax
import jax.numpy as jnp
from jax import lax
from jax.experimental import pallas as pl
from jax.experimental.pallas import tpu as pltpu
from jax.experimental.pallas import tpu_sc as plsc

NC = 2
NS = 16
NW = NC * NS
NBUF = 8


@functools.lru_cache(maxsize=None)
def _make_sc_gather(n_chunks, chunk, embed, view_rows):
    mesh = plsc.VectorSubcoreMesh(core_axis_name="c", subcore_axis_name="s")
    assert n_chunks % NBUF == 0
    n_rounds = n_chunks // NBUF
    pitch = 2 * embed

    @functools.partial(
        pl.kernel,
        out_type=jax.ShapeDtypeStruct((NW * n_chunks * chunk, pitch), jnp.float32),
        mesh=mesh,
        scratch_types=[
            pltpu.VMEM((n_chunks, chunk), jnp.int32),
            [pltpu.VMEM((chunk, embed), jnp.float32) for _ in range(NBUF)],
            [pltpu.SemaphoreType.DMA for _ in range(NBUF)],
            [pltpu.SemaphoreType.DMA for _ in range(NBUF)],
        ],
        compiler_params=pltpu.CompilerParams(use_tc_tiling_on_sc=False),
    )
    def gather_kernel(idx_hbm, table_hbm, out_hbm, idx_v, rows, gsem, osem):
        wid = lax.axis_index("s") * NC + lax.axis_index("c")
        base_row = wid * (n_chunks * chunk)
        pltpu.sync_copy(idx_hbm.at[wid], idx_v)

        def dst(g):
            return out_hbm.at[pl.ds(base_row + g * chunk, chunk), pl.ds(0, embed)]

        for b in range(NBUF):
            pltpu.async_copy(table_hbm.at[idx_v.at[b]], rows[b], gsem[b])

        def round_body(i, carry):
            base = i * NBUF
            for b in range(NBUF):
                g = base + b
                pltpu.make_async_copy(
                    table_hbm.at[idx_v.at[g]], rows[b], gsem[b]).wait()
                pltpu.async_copy(rows[b], dst(g), osem[b])
            for b in range(NBUF):
                g2 = base + NBUF + b
                pltpu.make_async_copy(rows[b], dst(base + b), osem[b]).wait()

                @pl.when(g2 < n_chunks)
                def _():
                    pltpu.async_copy(
                        table_hbm.at[idx_v.at[g2]], rows[b], gsem[b])

            return carry

        lax.fori_loop(0, n_rounds, round_body, 0)

    return gather_kernel


def kernel(x, table):
    b0, b1 = x.shape
    vocab, embed = table.shape
    total = b0 * b1
    chunk = 128
    assert total % (NW * chunk) == 0
    n_chunks = total // (NW * chunk)
    tview = jnp.pad(table, ((0, 0), (0, embed))).reshape(2 * vocab, embed)
    idx = (x.astype(jnp.int32) * 2).reshape(NW, n_chunks, chunk)
    fn = _make_sc_gather(n_chunks, chunk, embed, 2 * vocab)
    out = fn(idx, tview)
    return out[:, :embed].reshape(b0, b1, embed)

# --- scband reference (transcript-rebuilt; emitter-appended) ---
"""Pipeline reference for scband-glove-embedding-82179904241957 (READ-ONLY COPY).

The authoritative reference and input builder live on the scoring server;
editing this copy changes nothing except your own understanding.
"""

import jax, jax.numpy as jnp
import numpy as np

VOCAB = 1000000
EMBED = 64
PAD = 0


def setup_inputs(seed: int = 0) -> dict:
    key = jax.random.key(seed)
    k1, k2 = jax.random.split(key)
    # token indices into the (vocab+1)-row glove table, padding index = 0
    x = jax.random.randint(k1, (4096, 200), 0, VOCAB + 1)
    # learned glove matrix, shape (vocab+1, embed_dim); padding row is zeros
    table = jax.random.normal(k2, (VOCAB + 1, EMBED), dtype=jnp.float32) * 0.02
    table = table.at[PAD].set(0.0)
    return {"x": x, "table": table}


def reference(x, table):
    # nn.Embedding forward == row gather from the weight matrix
    return jnp.take(table, x, axis=0)

if __name__ == "__main__":
    import jax
    _d = setup_inputs()
    print(jax.jit(kernel)(*tuple(_d.values())))

</pallas_src>

<mosaic_0001>
#map = affine_map<(d0, d1) -> (0, 0, 0)>
#map1 = affine_map<(d0, d1) -> (0, 0)>
module attributes {stable_mosaic.version = 14 : i64} {
  func.func @gather_kernel(%arg0: i32, %arg1: i32, %arg2: memref<32x200x128xi32, #tpu.memory_space<hbm>>, %arg3: memref<2000002x64xf32, #tpu.memory_space<hbm>>, %arg4: memref<819200x128xf32, #tpu.memory_space<hbm>>, %arg5: memref<200x128xi32, #tpu.memory_space<vmem>>, %arg6: memref<128x64xf32, #tpu.memory_space<vmem>>, %arg7: memref<128x64xf32, #tpu.memory_space<vmem>>, %arg8: memref<128x64xf32, #tpu.memory_space<vmem>>, %arg9: memref<128x64xf32, #tpu.memory_space<vmem>>, %arg10: memref<128x64xf32, #tpu.memory_space<vmem>>, %arg11: memref<128x64xf32, #tpu.memory_space<vmem>>, %arg12: memref<128x64xf32, #tpu.memory_space<vmem>>, %arg13: memref<128x64xf32, #tpu.memory_space<vmem>>, %arg14: memref<!tpu.dma_semaphore, #tpu.memory_space<semaphore_mem>>, %arg15: memref<!tpu.dma_semaphore, #tpu.memory_space<semaphore_mem>>, %arg16: memref<!tpu.dma_semaphore, #tpu.memory_space<semaphore_mem>>, %arg17: memref<!tpu.dma_semaphore, #tpu.memory_space<semaphore_mem>>, %arg18: memref<!tpu.dma_semaphore, #tpu.memory_space<semaphore_mem>>, %arg19: memref<!tpu.dma_semaphore, #tpu.memory_space<semaphore_mem>>, %arg20: memref<!tpu.dma_semaphore, #tpu.memory_space<semaphore_mem>>, %arg21: memref<!tpu.dma_semaphore, #tpu.memory_space<semaphore_mem>>, %arg22: memref<!tpu.dma_semaphore, #tpu.memory_space<semaphore_mem>>, %arg23: memref<!tpu.dma_semaphore, #tpu.memory_space<semaphore_mem>>, %arg24: memref<!tpu.dma_semaphore, #tpu.memory_space<semaphore_mem>>, %arg25: memref<!tpu.dma_semaphore, #tpu.memory_space<semaphore_mem>>, %arg26: memref<!tpu.dma_semaphore, #tpu.memory_space<semaphore_mem>>, %arg27: memref<!tpu.dma_semaphore, #tpu.memory_space<semaphore_mem>>, %arg28: memref<!tpu.dma_semaphore, #tpu.memory_space<semaphore_mem>>, %arg29: memref<!tpu.dma_semaphore, #tpu.memory_space<semaphore_mem>>) attributes {dimension_semantics = [#tpu.dimension_semantics<core_parallel>, #tpu.dimension_semantics<subcore_parallel>], iteration_bounds = array<i64: 2, 16>, scalar_prefetch = 0 : i64, scratch_operands = 25 : i64, tpu.core_type = #tpu.core_type<sc_vector_subcore>, window_params = [{transform_indices = #map}, {transform_indices = #map1}, {transform_indices = #map1}]} {
    %mul3A = arith.constant 2 : i32
    %mul3A_0 = arith.muli %arg1, %mul3A : i32
    %add3A = arith.addi %mul3A_0, %arg0 : i32
    %mul3A_1 = arith.constant 25600 : i32
    %mul3A_2 = arith.muli %add3A, %mul3A_1 : i32
    "tpu.region"() ({
      %run_scoped3A = tpu.sem_alloc : memref<!tpu.dma_semaphore, #tpu.memory_space<semaphore_mem>>
      %dma_start3A_63 = arith.constant 0 : i32
      %dma_start3A_64 = arith.constant 0 : i32
      %dma_start3A_65 = tpu.memref_slice %arg2[%add3A, %dma_start3A_63, %dma_start3A_64] : memref<32x200x128xi32, #tpu.memory_space<hbm>> -> memref<1x200x128xi32, #tpu.memory_space<hbm>>
      %dma_start3A_66 = tpu.memref_squeeze %dma_start3A_65 : memref<1x200x128xi32, #tpu.memory_space<hbm>> -> memref<200x128xi32, #tpu.memory_space<hbm>>
      %dma_start3A_67 = arith.constant 0 : i32
      %dma_start3A_68 = arith.constant 0 : i32
      %dma_start3A_69 = tpu.memref_slice %arg2[%add3A, %dma_start3A_67, %dma_start3A_68] : memref<32x200x128xi32, #tpu.memory_space<hbm>> -> memref<1x200x128xi32, #tpu.memory_space<hbm>>
      %dma_start3A_70 = tpu.memref_squeeze %dma_start3A_69 : memref<1x200x128xi32, #tpu.memory_space<hbm>> -> memref<200x128xi32, #tpu.memory_space<hbm>>
      tpu.enqueue_dma source(%dma_start3A_70 : memref<200x128xi32, #tpu.memory_space<hbm>>) target(%arg5 : memref<200x128xi32, #tpu.memory_space<vmem>>) target_semaphore(%run_scoped3A : memref<!tpu.dma_semaphore, #tpu.memory_space<semaphore_mem>>)
      %dma_wait3A = arith.constant 0 : i32
      %dma_wait3A_71 = arith.constant 0 : i32
      %dma_wait3A_72 = tpu.memref_slice %arg2[%add3A, %dma_wait3A, %dma_wait3A_71] : memref<32x200x128xi32, #tpu.memory_space<hbm>> -> memref<1x200x128xi32, #tpu.memory_space<hbm>>
      %dma_wait3A_73 = tpu.memref_squeeze %dma_wait3A_72 : memref<1x200x128xi32, #tpu.memory_space<hbm>> -> memref<200x128xi32, #tpu.memory_space<hbm>>
      %dma_wait3A_74 = arith.constant 0 : i32
      %dma_wait3A_75 = arith.constant 0 : i32
      %dma_wait3A_76 = tpu.memref_slice %arg2[%add3A, %dma_wait3A_74, %dma_wait3A_75] : memref<32x200x128xi32, #tpu.memory_space<hbm>> -> memref<1x200x128xi32, #tpu.memory_space<hbm>>
      %dma_wait3A_77 = tpu.memref_squeeze %dma_wait3A_76 : memref<1x200x128xi32, #tpu.memory_space<hbm>> -> memref<200x128xi32, #tpu.memory_space<hbm>>
      tpu.wait_dma2 semaphore(%run_scoped3A : memref<!tpu.dma_semaphore, #tpu.memory_space<semaphore_mem>>) src(%dma_wait3A_77 : memref<200x128xi32, #tpu.memory_space<hbm>>) dst(%arg5 : memref<200x128xi32, #tpu.memory_space<vmem>>)
      tpu.yield
    }) : () -> ()
    %dma_start3A = arith.constant 0 : i32
    %dma_start3A_3 = arith.constant 0 : i32
    %dma_start3A_4 = tpu.memref_slice %arg5[%dma_start3A, %dma_start3A_3] : memref<200x128xi32, #tpu.memory_space<vmem>> -> memref<1x128xi32, #tpu.memory_space<vmem>>
    %dma_start3A_5 = tpu.memref_squeeze %dma_start3A_4 : memref<1x128xi32, #tpu.memory_space<vmem>> -> memref<128xi32, #tpu.memory_space<vmem>>
    %dma_start3A_6 = arith.constant 0 : i32
    %dma_start3A_7 = arith.constant 0 : i32
    %dma_start3A_8 = tpu.memref_slice %arg3[%dma_start3A_6, %dma_start3A_7] : memref<2000002x64xf32, #tpu.memory_space<hbm>> -> memref<2000002x64xf32, #tpu.memory_space<hbm>>
    tpu.enqueue_indirect_dma source(%dma_start3A_8 : memref<2000002x64xf32, #tpu.memory_space<hbm>>) target(%arg6 : memref<128x64xf32, #tpu.memory_space<vmem>>) offsets(%dma_start3A_5 : memref<128xi32, #tpu.memory_space<vmem>>) semaphore(%arg14 : memref<!tpu.dma_semaphore, #tpu.memory_space<semaphore_mem>>)
    %dma_start3A_9 = arith.constant 1 : i32
    %dma_start3A_10 = arith.constant 0 : i32
    %dma_start3A_11 = tpu.memref_slice %arg5[%dma_start3A_9, %dma_start3A_10] : memref<200x128xi32, #tpu.memory_space<vmem>> -> memref<1x128xi32, #tpu.memory_space<vmem>>
    %dma_start3A_12 = tpu.memref_squeeze %dma_start3A_11 : memref<1x128xi32, #tpu.memory_space<vmem>> -> memref<128xi32, #tpu.memory_space<vmem>>
    %dma_start3A_13 = arith.constant 0 : i32
    %dma_start3A_14 = arith.constant 0 : i32
    %dma_start3A_15 = tpu.memref_slice %arg3[%dma_start3A_13, %dma_start3A_14] : memref<2000002x64xf32, #tpu.memory_space<hbm>> -> memref<2000002x64xf32, #tpu.memory_space<hbm>>
    tpu.enqueue_indirect_dma source(%dma_start3A_15 : memref<2000002x64xf32, #tpu.memory_space<hbm>>) target(%arg7 : memref<128x64xf32, #tpu.memory_space<vmem>>) offsets(%dma_start3A_12 : memref<128xi32, #tpu.memory_space<vmem>>) semaphore(%arg15 : memref<!tpu.dma_semaphore, #tpu.memory_space<semaphore_mem>>)
    %dma_start3A_16 = arith.constant 2 : i32
    %dma_start3A_17 = arith.constant 0 : i32
    %dma_start3A_18 = tpu.memref_slice %arg5[%dma_start3A_16, %dma_start3A_17] : memref<200x128xi32, #tpu.memory_space<vmem>> -> memref<1x128xi32, #tpu.memory_space<vmem>>
    %dma_start3A_19 = tpu.memref_squeeze %dma_start3A_18 : memref<1x128xi32, #tpu.memory_space<vmem>> -> memref<128xi32, #tpu.memory_space<vmem>>
    %dma_start3A_20 = arith.constant 0 : i32
    %dma_start3A_21 = arith.constant 0 : i32
    %dma_start3A_22 = tpu.memref_slice %arg3[%dma_start3A_20, %dma_start3A_21] : memref<2000002x64xf32, #tpu.memory_space<hbm>> -> memref<2000002x64xf32, #tpu.memory_space<hbm>>
    tpu.enqueue_indirect_dma source(%dma_start3A_22 : memref<2000002x64xf32, #tpu.memory_space<hbm>>) target(%arg8 : memref<128x64xf32, #tpu.memory_space<vmem>>) offsets(%dma_start3A_19 : memref<128xi32, #tpu.memory_space<vmem>>) semaphore(%arg16 : memref<!tpu.dma_semaphore, #tpu.memory_space<semaphore_mem>>)
    %dma_start3A_23 = arith.constant 3 : i32
    %dma_start3A_24 = arith.constant 0 : i32
    %dma_start3A_25 = tpu.memref_slice %arg5[%dma_start3A_23, %dma_start3A_24] : memref<200x128xi32, #tpu.memory_space<vmem>> -> memref<1x128xi32, #tpu.memory_space<vmem>>
    %dma_start3A_26 = tpu.memref_squeeze %dma_start3A_25 : memref<1x128xi32, #tpu.memory_space<vmem>> -> memref<128xi32, #tpu.memory_space<vmem>>
    %dma_start3A_27 = arith.constant 0 : i32
    %dma_start3A_28 = arith.constant 0 : i32
    %dma_start3A_29 = tpu.memref_slice %arg3[%dma_start3A_27, %dma_start3A_28] : memref<2000002x64xf32, #tpu.memory_space<hbm>> -> memref<2000002x64xf32, #tpu.memory_space<hbm>>
    tpu.enqueue_indirect_dma source(%dma_start3A_29 : memref<2000002x64xf32, #tpu.memory_space<hbm>>) target(%arg9 : memref<128x64xf32, #tpu.memory_space<vmem>>) offsets(%dma_start3A_26 : memref<128xi32, #tpu.memory_space<vmem>>) semaphore(%arg17 : memref<!tpu.dma_semaphore, #tpu.memory_space<semaphore_mem>>)
    %dma_start3A_30 = arith.constant 4 : i32
    %dma_start3A_31 = arith.constant 0 : i32
    %dma_start3A_32 = tpu.memref_slice %arg5[%dma_start3A_30, %dma_start3A_31] : memref<200x128xi32, #tpu.memory_space<vmem>> -> memref<1x128xi32, #tpu.memory_space<vmem>>
    %dma_start3A_33 = tpu.memref_squeeze %dma_start3A_32 : memref<1x128xi32, #tpu.memory_space<vmem>> -> memref<128xi32, #tpu.memory_space<vmem>>
    %dma_start3A_34 = arith.constant 0 : i32
    %dma_start3A_35 = arith.constant 0 : i32
    %dma_start3A_36 = tpu.memref_slice %arg3[%dma_start3A_34, %dma_start3A_35] : memref<2000002x64xf32, #tpu.memory_space<hbm>> -> memref<2000002x64xf32, #tpu.memory_space<hbm>>
    tpu.enqueue_indirect_dma source(%dma_start3A_36 : memref<2000002x64xf32, #tpu.memory_space<hbm>>) target(%arg10 : memref<128x64xf32, #tpu.memory_space<vmem>>) offsets(%dma_start3A_33 : memref<128xi32, #tpu.memory_space<vmem>>) semaphore(%arg18 : memref<!tpu.dma_semaphore, #tpu.memory_space<semaphore_mem>>)
    %dma_start3A_37 = arith.constant 5 : i32
    %dma_start3A_38 = arith.constant 0 : i32
    %dma_start3A_39 = tpu.memref_slice %arg5[%dma_start3A_37, %dma_start3A_38] : memref<200x128xi32, #tpu.memory_space<vmem>> -> memref<1x128xi32, #tpu.memory_space<vmem>>
    %dma_start3A_40 = tpu.memref_squeeze %dma_start3A_39 : memref<1x128xi32, #tpu.memory_space<vmem>> -> memref<128xi32, #tpu.memory_space<vmem>>
    %dma_start3A_41 = arith.constant 0 : i32
    %dma_start3A_42 = arith.constant 0 : i32
    %dma_start3A_43 = tpu.memref_slice %arg3[%dma_start3A_41, %dma_start3A_42] : memref<2000002x64xf32, #tpu.memory_space<hbm>> -> memref<2000002x64xf32, #tpu.memory_space<hbm>>
    tpu.enqueue_indirect_dma source(%dma_start3A_43 : memref<2000002x64xf32, #tpu.memory_space<hbm>>) target(%arg11 : memref<128x64xf32, #tpu.memory_space<vmem>>) offsets(%dma_start3A_40 : memref<128xi32, #tpu.memory_space<vmem>>) semaphore(%arg19 : memref<!tpu.dma_semaphore, #tpu.memory_space<semaphore_mem>>)
    %dma_start3A_44 = arith.constant 6 : i32
    %dma_start3A_45 = arith.constant 0 : i32
    %dma_start3A_46 = tpu.memref_slice %arg5[%dma_start3A_44, %dma_start3A_45] : memref<200x128xi32, #tpu.memory_space<vmem>> -> memref<1x128xi32, #tpu.memory_space<vmem>>
    %dma_start3A_47 = tpu.memref_squeeze %dma_start3A_46 : memref<1x128xi32, #tpu.memory_space<vmem>> -> memref<128xi32, #tpu.memory_space<vmem>>
    %dma_start3A_48 = arith.constant 0 : i32
    %dma_start3A_49 = arith.constant 0 : i32
    %dma_start3A_50 = tpu.memref_slice %arg3[%dma_start3A_48, %dma_start3A_49] : memref<2000002x64xf32, #tpu.memory_space<hbm>> -> memref<2000002x64xf32, #tpu.memory_space<hbm>>
    tpu.enqueue_indirect_dma source(%dma_start3A_50 : memref<2000002x64xf32, #tpu.memory_space<hbm>>) target(%arg12 : memref<128x64xf32, #tpu.memory_space<vmem>>) offsets(%dma_start3A_47 : memref<128xi32, #tpu.memory_space<vmem>>) semaphore(%arg20 : memref<!tpu.dma_semaphore, #tpu.memory_space<semaphore_mem>>)
    %dma_start3A_51 = arith.constant 7 : i32
    %dma_start3A_52 = arith.constant 0 : i32
    %dma_start3A_53 = tpu.memref_slice %arg5[%dma_start3A_51, %dma_start3A_52] : memref<200x128xi32, #tpu.memory_space<vmem>> -> memref<1x128xi32, #tpu.memory_space<vmem>>
    %dma_start3A_54 = tpu.memref_squeeze %dma_start3A_53 : memref<1x128xi32, #tpu.memory_space<vmem>> -> memref<128xi32, #tpu.memory_space<vmem>>
    %dma_start3A_55 = arith.constant 0 : i32
    %dma_start3A_56 = arith.constant 0 : i32
    %dma_start3A_57 = tpu.memref_slice %arg3[%dma_start3A_55, %dma_start3A_56] : memref<2000002x64xf32, #tpu.memory_space<hbm>> -> memref<2000002x64xf32, #tpu.memory_space<hbm>>
    tpu.enqueue_indirect_dma source(%dma_start3A_57 : memref<2000002x64xf32, #tpu.memory_space<hbm>>) target(%arg13 : memref<128x64xf32, #tpu.memory_space<vmem>>) offsets(%dma_start3A_54 : memref<128xi32, #tpu.memory_space<vmem>>) semaphore(%arg21 : memref<!tpu.dma_semaphore, #tpu.memory_space<semaphore_mem>>)
    %scan3A = arith.constant 0 : i32
    %scan3A_58 = arith.constant 0 : i32
    %scan3A_59 = arith.constant 25 : i32
    %scan3A_60 = arith.addi %scan3A_58, %scan3A_59 : i32
    %scan3A_61 = arith.constant 1 : i32
    scf.for %scan3A_63 = %scan3A_58 to %scan3A_60 step %scan3A_61  : i32 {
      %mul3A_64 = arith.constant 8 : i32
      %mul3A_65 = arith.muli %scan3A_63, %mul3A_64 : i32
      %add3A_66 = arith.constant 0 : i32
      %add3A_67 = arith.addi %mul3A_65, %add3A_66 : i32
      %dma_wait3A = arith.constant 0 : i32
      %dma_wait3A_68 = tpu.memref_slice %arg5[%add3A_67, %dma_wait3A] : memref<200x128xi32, #tpu.memory_space<vmem>> -> memref<1x128xi32, #tpu.memory_space<vmem>>
      %dma_wait3A_69 = tpu.memref_squeeze %dma_wait3A_68 : memref<1x128xi32, #tpu.memory_space<vmem>> -> memref<128xi32, #tpu.memory_space<vmem>>
      %dma_wait3A_70 = arith.constant 0 : i32
      %dma_wait3A_71 = arith.constant 0 : i32
      %dma_wait3A_72 = tpu.memref_slice %arg3[%dma_wait3A_70, %dma_wait3A_71] : memref<2000002x64xf32, #tpu.memory_space<hbm>> -> memref<2000002x64xf32, #tpu.memory_space<hbm>>
      tpu.wait_indirect_dma semaphore(%arg14 : memref<!tpu.dma_semaphore, #tpu.memory_space<semaphore_mem>>) src(%dma_wait3A_72 : memref<2000002x64xf32, #tpu.memory_space<hbm>>) dst(%arg6 : memref<128x64xf32, #tpu.memory_space<vmem>>)
      %mul3A_73 = arith.constant 128 : i32
      %mul3A_74 = arith.muli %add3A_67, %mul3A_73 : i32
      %add3A_75 = arith.addi %mul3A_2, %mul3A_74 : i32
      %dma_start3A_76 = arith.constant 0 : i32
      %dma_start3A_77 = tpu.memref_slice %arg4[%add3A_75, %dma_start3A_76] : memref<819200x128xf32, #tpu.memory_space<hbm>> -> memref<128x64xf32, #tpu.memory_space<hbm>>
      %dma_start3A_78 = arith.constant 0 : i32
      %dma_start3A_79 = tpu.memref_slice %arg4[%add3A_75, %dma_start3A_78] : memref<819200x128xf32, #tpu.memory_space<hbm>> -> memref<128x64xf32, #tpu.memory_space<hbm>>
      tpu.enqueue_dma source(%arg6 : memref<128x64xf32, #tpu.memory_space<vmem>>) target(%dma_start3A_79 : memref<128x64xf32, #tpu.memory_space<hbm>>) target_semaphore(%arg22 : memref<!tpu.dma_semaphore, #tpu.memory_space<semaphore_mem>>)
      %add3A_80 = arith.constant 1 : i32
      %add3A_81 = arith.addi %mul3A_65, %add3A_80 : i32
      %dma_wait3A_82 = arith.constant 0 : i32
      %dma_wait3A_83 = tpu.memref_slice %arg5[%add3A_81, %dma_wait3A_82] : memref<200x128xi32, #tpu.memory_space<vmem>> -> memref<1x128xi32, #tpu.memory_space<vmem>>
      %dma_wait3A_84 = tpu.memref_squeeze %dma_wait3A_83 : memref<1x128xi32, #tpu.memory_space<vmem>> -> memref<128xi32, #tpu.memory_space<vmem>>
      %dma_wait3A_85 = arith.constant 0 : i32
      %dma_wait3A_86 = arith.constant 0 : i32
      %dma_wait3A_87 = tpu.memref_slice %arg3[%dma_wait3A_85, %dma_wait3A_86] : memref<2000002x64xf32, #tpu.memory_space<hbm>> -> memref<2000002x64xf32, #tpu.memory_space<hbm>>
      tpu.wait_indirect_dma semaphore(%arg15 : memref<!tpu.dma_semaphore, #tpu.memory_space<semaphore_mem>>) src(%dma_wait3A_87 : memref<2000002x64xf32, #tpu.memory_space<hbm>>) dst(%arg7 : memref<128x64xf32, #tpu.memory_space<vmem>>)
      %mul3A_88 = arith.constant 128 : i32
      %mul3A_89 = arith.muli %add3A_81, %mul3A_88 : i32
      %add3A_90 = arith.addi %mul3A_2, %mul3A_89 : i32
      %dma_start3A_91 = arith.constant 0 : i32
      %dma_start3A_92 = tpu.memref_slice %arg4[%add3A_90, %dma_start3A_91] : memref<819200x128xf32, #tpu.memory_space<hbm>> -> memref<128x64xf32, #tpu.memory_space<hbm>>
      %dma_start3A_93 = arith.constant 0 : i32
      %dma_start3A_94 = tpu.memref_slice %arg4[%add3A_90, %dma_start3A_93] : memref<819200x128xf32, #tpu.memory_space<hbm>> -> memref<128x64xf32, #tpu.memory_space<hbm>>
      tpu.enqueue_dma source(%arg7 : memref<128x64xf32, #tpu.memory_space<vmem>>) target(%dma_start3A_94 : memref<128x64xf32, #tpu.memory_space<hbm>>) target_semaphore(%arg23 : memref<!tpu.dma_semaphore, #tpu.memory_space<semaphore_mem>>)
      %add3A_95 = arith.constant 2 : i32
      %add3A_96 = arith.addi %mul3A_65, %add3A_95 : i32
      %dma_wait3A_97 = arith.constant 0 : i32
      %dma_wait3A_98 = tpu.memref_slice %arg5[%add3A_96, %dma_wait3A_97] : memref<200x128xi32, #tpu.memory_space<vmem>> -> memref<1x128xi32, #tpu.memory_space<vmem>>
      %dma_wait3A_99 = tpu.memref_squeeze %dma_wait3A_98 : memref<1x128xi32, #tpu.memory_space<vmem>> -> memref<128xi32, #tpu.memory_space<vmem>>
      %dma_wait3A_100 = arith.constant 0 : i32
      %dma_wait3A_101 = arith.constant 0 : i32
      %dma_wait3A_102 = tpu.memref_slice %arg3[%dma_wait3A_100, %dma_wait3A_101] : memref<2000002x64xf32, #tpu.memory_space<hbm>> -> memref<2000002x64xf32, #tpu.memory_space<hbm>>
      tpu.wait_indirect_dma semaphore(%arg16 : memref<!tpu.dma_semaphore, #tpu.memory_space<semaphore_mem>>) src(%dma_wait3A_102 : memref<2000002x64xf32, #tpu.memory_space<hbm>>) dst(%arg8 : memref<128x64xf32, #tpu.memory_space<vmem>>)
      %mul3A_103 = arith.constant 128 : i32
      %mul3A_104 = arith.muli %add3A_96, %mul3A_103 : i32
      %add3A_105 = arith.addi %mul3A_2, %mul3A_104 : i32
      %dma_start3A_106 = arith.constant 0 : i32
      %dma_start3A_107 = tpu.memref_slice %arg4[%add3A_105, %dma_start3A_106] : memref<819200x128xf32, #tpu.memory_space<hbm>> -> memref<128x64xf32, #tpu.memory_space<hbm>>
      %dma_start3A_108 = arith.constant 0 : i32
      %dma_start3A_109 = tpu.memref_slice %arg4[%add3A_105, %dma_start3A_108] : memref<819200x128xf32, #tpu.memory_space<hbm>> -> memref<128x64xf32, #tpu.memory_space<hbm>>
      tpu.enqueue_dma source(%arg8 : memref<128x64xf32, #tpu.memory_space<vmem>>) target(%dma_start3A_109 : memref<128x64xf32, #tpu.memory_space<hbm>>) target_semaphore(%arg24 : memref<!tpu.dma_semaphore, #tpu.memory_space<semaphore_mem>>)
      %add3A_110 = arith.constant 3 : i32
      %add3A_111 = arith.addi %mul3A_65, %add3A_110 : i32
      %dma_wait3A_112 = arith.constant 0 : i32
      %dma_wait3A_113 = tpu.memref_slice %arg5[%add3A_111, %dma_wait3A_112] : memref<200x128xi32, #tpu.memory_space<vmem>> -> memref<1x128xi32, #tpu.memory_space<vmem>>
      %dma_wait3A_114 = tpu.memref_squeeze %dma_wait3A_113 : memref<1x128xi32, #tpu.memory_space<vmem>> -> memref<128xi32, #tpu.memory_space<vmem>>
      %dma_wait3A_115 = arith.constant 0 : i32
      %dma_wait3A_116 = arith.constant 0 : i32
      %dma_wait3A_117 = tpu.memref_slice %arg3[%dma_wait3A_115, %dma_wait3A_116] : memref<2000002x64xf32, #tpu.memory_space<hbm>> -> memref<2000002x64xf32, #tpu.memory_space<hbm>>
      tpu.wait_indirect_dma semaphore(%arg17 : memref<!tpu.dma_semaphore, #tpu.memory_space<semaphore_mem>>) src(%dma_wait3A_117 : memref<2000002x64xf32, #tpu.memory_space<hbm>>) dst(%arg9 : memref<128x64xf32, #tpu.memory_space<vmem>>)
      %mul3A_118 = arith.constant 128 : i32
      %mul3A_119 = arith.muli %add3A_111, %mul3A_118 : i32
      %add3A_120 = arith.addi %mul3A_2, %mul3A_119 : i32
      %dma_start3A_121 = arith.constant 0 : i32
      %dma_start3A_122 = tpu.memref_slice %arg4[%add3A_120, %dma_start3A_121] : memref<819200x128xf32, #tpu.memory_space<hbm>> -> memref<128x64xf32, #tpu.memory_space<hbm>>
      %dma_start3A_123 = arith.constant 0 : i32
      %dma_start3A_124 = tpu.memref_slice %arg4[%add3A_120, %dma_start3A_123] : memref<819200x128xf32, #tpu.memory_space<hbm>> -> memref<128x64xf32, #tpu.memory_space<hbm>>
      tpu.enqueue_dma source(%arg9 : memref<128x64xf32, #tpu.memory_space<vmem>>) target(%dma_start3A_124 : memref<128x64xf32, #tpu.memory_space<hbm>>) target_semaphore(%arg25 : memref<!tpu.dma_semaphore, #tpu.memory_space<semaphore_mem>>)
      %add3A_125 = arith.constant 4 : i32
      %add3A_126 = arith.addi %mul3A_65, %add3A_125 : i32
      %dma_wait3A_127 = arith.constant 0 : i32
      %dma_wait3A_128 = tpu.memref_slice %arg5[%add3A_126, %dma_wait3A_127] : memref<200x128xi32, #tpu.memory_space<vmem>> -> memref<1x128xi32, #tpu.memory_space<vmem>>
      %dma_wait3A_129 = tpu.memref_squeeze %dma_wait3A_128 : memref<1x128xi32, #tpu.memory_space<vmem>> -> memref<128xi32, #tpu.memory_space<vmem>>
      %dma_wait3A_130 = arith.constant 0 : i32
      %dma_wait3A_131 = arith.constant 0 : i32
      %dma_wait3A_132 = tpu.memref_slice %arg3[%dma_wait3A_130, %dma_wait3A_131] : memref<2000002x64xf32, #tpu.memory_space<hbm>> -> memref<2000002x64xf32, #tpu.memory_space<hbm>>
      tpu.wait_indirect_dma semaphore(%arg18 : memref<!tpu.dma_semaphore, #tpu.memory_space<semaphore_mem>>) src(%dma_wait3A_132 : memref<2000002x64xf32, #tpu.memory_space<hbm>>) dst(%arg10 : memref<128x64xf32, #tpu.memory_space<vmem>>)
      %mul3A_133 = arith.constant 128 : i32
      %mul3A_134 = arith.muli %add3A_126, %mul3A_133 : i32
      %add3A_135 = arith.addi %mul3A_2, %mul3A_134 : i32
      %dma_start3A_136 = arith.constant 0 : i32
      %dma_start3A_137 = tpu.memref_slice %arg4[%add3A_135, %dma_start3A_136] : memref<819200x128xf32, #tpu.memory_space<hbm>> -> memref<128x64xf32, #tpu.memory_space<hbm>>
      %dma_start3A_138 = arith.constant 0 : i32
      %dma_start3A_139 = tpu.memref_slice %arg4[%add3A_135, %dma_start3A_138] : memref<819200x128xf32, #tpu.memory_space<hbm>> -> memref<128x64xf32, #tpu.memory_space<hbm>>
      tpu.enqueue_dma source(%arg10 : memref<128x64xf32, #tpu.memory_space<vmem>>) target(%dma_start3A_139 : memref<128x64xf32, #tpu.memory_space<hbm>>) target_semaphore(%arg26 : memref<!tpu.dma_semaphore, #tpu.memory_space<semaphore_mem>>)
      %add3A_140 = arith.constant 5 : i32
      %add3A_141 = arith.addi %mul3A_65, %add3A_140 : i32
      %dma_wait3A_142 = arith.constant 0 : i32
      %dma_wait3A_143 = tpu.memref_slice %arg5[%add3A_141, %dma_wait3A_142] : memref<200x128xi32, #tpu.memory_space<vmem>> -> memref<1x128xi32, #tpu.memory_space<vmem>>
      %dma_wait3A_144 = tpu.memref_squeeze %dma_wait3A_143 : memref<1x128xi32, #tpu.memory_space<vmem>> -> memref<128xi32, #tpu.memory_space<vmem>>
      %dma_wait3A_145 = arith.constant 0 : i32
      %dma_wait3A_146 = arith.constant 0 : i32
      %dma_wait3A_147 = tpu.memref_slice %arg3[%dma_wait3A_145, %dma_wait3A_146] : memref<2000002x64xf32, #tpu.memory_space<hbm>> -> memref<2000002x64xf32, #tpu.memory_space<hbm>>
      tpu.wait_indirect_dma semaphore(%arg19 : memref<!tpu.dma_semaphore, #tpu.memory_space<semaphore_mem>>) src(%dma_wait3A_147 : memref<2000002x64xf32, #tpu.memory_space<hbm>>) dst(%arg11 : memref<128x64xf32, #tpu.memory_space<vmem>>)
      %mul3A_148 = arith.constant 128 : i32
      %mul3A_149 = arith.muli %add3A_141, %mul3A_148 : i32
      %add3A_150 = arith.addi %mul3A_2, %mul3A_149 : i32
      %dma_start3A_151 = arith.constant 0 : i32
      %dma_start3A_152 = tpu.memref_slice %arg4[%add3A_150, %dma_start3A_151] : memref<819200x128xf32, #tpu.memory_space<hbm>> -> memref<128x64xf32, #tpu.memory_space<hbm>>
      %dma_start3A_153 = arith.constant 0 : i32
      %dma_start3A_154 = tpu.memref_slice %arg4[%add3A_150, %dma_start3A_153] : memref<819200x128xf32, #tpu.memory_space<hbm>> -> memref<128x64xf32, #tpu.memory_space<hbm>>
      tpu.enqueue_dma source(%arg11 : memref<128x64xf32, #tpu.memory_space<vmem>>) target(%dma_start3A_154 : memref<128x64xf32, #tpu.memory_space<hbm>>) target_semaphore(%arg27 : memref<!tpu.dma_semaphore, #tpu.memory_space<semaphore_mem>>)
      %add3A_155 = arith.constant 6 : i32
      %add3A_156 = arith.addi %mul3A_65, %add3A_155 : i32
      %dma_wait3A_157 = arith.constant 0 : i32
      %dma_wait3A_158 = tpu.memref_slice %arg5[%add3A_156, %dma_wait3A_157] : memref<200x128xi32, #tpu.memory_space<vmem>> -> memref<1x128xi32, #tpu.memory_space<vmem>>
      %dma_wait3A_159 = tpu.memref_squeeze %dma_wait3A_158 : memref<1x128xi32, #tpu.memory_space<vmem>> -> memref<128xi32, #tpu.memory_space<vmem>>
      %dma_wait3A_160 = arith.constant 0 : i32
      %dma_wait3A_161 = arith.constant 0 : i32
      %dma_wait3A_162 = tpu.memref_slice %arg3[%dma_wait3A_160, %dma_wait3A_161] : memref<2000002x64xf32, #tpu.memory_space<hbm>> -> memref<2000002x64xf32, #tpu.memory_space<hbm>>
      tpu.wait_indirect_dma semaphore(%arg20 : memref<!tpu.dma_semaphore, #tpu.memory_space<semaphore_mem>>) src(%dma_wait3A_162 : memref<2000002x64xf32, #tpu.memory_space<hbm>>) dst(%arg12 : memref<128x64xf32, #tpu.memory_space<vmem>>)
      %mul3A_163 = arith.constant 128 : i32
      %mul3A_164 = arith.muli %add3A_156, %mul3A_163 : i32
      %add3A_165 = arith.addi %mul3A_2, %mul3A_164 : i32
      %dma_start3A_166 = arith.constant 0 : i32
      %dma_start3A_167 = tpu.memref_slice %arg4[%add3A_165, %dma_start3A_166] : memref<819200x128xf32, #tpu.memory_space<hbm>> -> memref<128x64xf32, #tpu.memory_space<hbm>>
      %dma_start3A_168 = arith.constant 0 : i32
      %dma_start3A_169 = tpu.memref_slice %arg4[%add3A_165, %dma_start3A_168] : memref<819200x128xf32, #tpu.memory_space<hbm>> -> memref<128x64xf32, #tpu.memory_space<hbm>>
      tpu.enqueue_dma source(%arg12 : memref<128x64xf32, #tpu.memory_space<vmem>>) target(%dma_start3A_169 : memref<128x64xf32, #tpu.memory_space<hbm>>) target_semaphore(%arg28 : memref<!tpu.dma_semaphore, #tpu.memory_space<semaphore_mem>>)
      %add3A_170 = arith.constant 7 : i32
      %add3A_171 = arith.addi %mul3A_65, %add3A_170 : i32
      %dma_wait3A_172 = arith.constant 0 : i32
      %dma_wait3A_173 = tpu.memref_slice %arg5[%add3A_171, %dma_wait3A_172] : memref<200x128xi32, #tpu.memory_space<vmem>> -> memref<1x128xi32, #tpu.memory_space<vmem>>
      %dma_wait3A_174 = tpu.memref_squeeze %dma_wait3A_173 : memref<1x128xi32, #tpu.memory_space<vmem>> -> memref<128xi32, #tpu.memory_space<vmem>>
      %dma_wait3A_175 = arith.constant 0 : i32
      %dma_wait3A_176 = arith.constant 0 : i32
      %dma_wait3A_177 = tpu.memref_slice %arg3[%dma_wait3A_175, %dma_wait3A_176] : memref<2000002x64xf32, #tpu.memory_space<hbm>> -> memref<2000002x64xf32, #tpu.memory_space<hbm>>
      tpu.wait_indirect_dma semaphore(%arg21 : memref<!tpu.dma_semaphore, #tpu.memory_space<semaphore_mem>>) src(%dma_wait3A_177 : memref<2000002x64xf32, #tpu.memory_space<hbm>>) dst(%arg13 : memref<128x64xf32, #tpu.memory_space<vmem>>)
      %mul3A_178 = arith.constant 128 : i32
      %mul3A_179 = arith.muli %add3A_171, %mul3A_178 : i32
      %add3A_180 = arith.addi %mul3A_2, %mul3A_179 : i32
      %dma_start3A_181 = arith.constant 0 : i32
      %dma_start3A_182 = tpu.memref_slice %arg4[%add3A_180, %dma_start3A_181] : memref<819200x128xf32, #tpu.memory_space<hbm>> -> memref<128x64xf32, #tpu.memory_space<hbm>>
      %dma_start3A_183 = arith.constant 0 : i32
      %dma_start3A_184 = tpu.memref_slice %arg4[%add3A_180, %dma_start3A_183] : memref<819200x128xf32, #tpu.memory_space<hbm>> -> memref<128x64xf32, #tpu.memory_space<hbm>>
      tpu.enqueue_dma source(%arg13 : memref<128x64xf32, #tpu.memory_space<vmem>>) target(%dma_start3A_184 : memref<128x64xf32, #tpu.memory_space<hbm>>) target_semaphore(%arg29 : memref<!tpu.dma_semaphore, #tpu.memory_space<semaphore_mem>>)
      %add3A_185 = arith.constant 8 : i32
      %add3A_186 = arith.addi %mul3A_65, %add3A_185 : i32
      %add3A_187 = arith.constant 0 : i32
      %add3A_188 = arith.addi %add3A_186, %add3A_187 : i32
      %add3A_189 = arith.constant 0 : i32
      %add3A_190 = arith.addi %mul3A_65, %add3A_189 : i32
      %mul3A_191 = arith.constant 128 : i32
      %mul3A_192 = arith.muli %add3A_190, %mul3A_191 : i32
      %add3A_193 = arith.addi %mul3A_2, %mul3A_192 : i32
      %dma_wait3A_194 = arith.constant 0 : i32
      %dma_wait3A_195 = tpu.memref_slice %arg4[%add3A_193, %dma_wait3A_194] : memref<819200x128xf32, #tpu.memory_space<hbm>> -> memref<128x64xf32, #tpu.memory_space<hbm>>
      %dma_wait3A_196 = arith.constant 0 : i32
      %dma_wait3A_197 = tpu.memref_slice %arg4[%add3A_193, %dma_wait3A_196] : memref<819200x128xf32, #tpu.memory_space<hbm>> -> memref<128x64xf32, #tpu.memory_space<hbm>>
      tpu.wait_dma2 semaphore(%arg22 : memref<!tpu.dma_semaphore, #tpu.memory_space<semaphore_mem>>) src(%arg6 : memref<128x64xf32, #tpu.memory_space<vmem>>) dst(%dma_wait3A_197 : memref<128x64xf32, #tpu.memory_space<hbm>>)
      %lt3A = arith.constant 200 : i32
      %lt3A_198 = arith.cmpi slt, %add3A_188, %lt3A : i32
      %convert_element_type3A = arith.extui %lt3A_198 : i1 to i32
      %cond3A = arith.constant 0 : i32
      %cond3A_199 = arith.cmpi ne, %convert_element_type3A, %cond3A : i32
      scf.if %cond3A_199 {
        %dma_start3A_326 = arith.constant 0 : i32
        %dma_start3A_327 = tpu.memref_slice %arg5[%add3A_188, %dma_start3A_326] : memref<200x128xi32, #tpu.memory_space<vmem>> -> memref<1x128xi32, #tpu.memory_space<vmem>>
        %dma_start3A_328 = tpu.memref_squeeze %dma_start3A_327 : memref<1x128xi32, #tpu.memory_space<vmem>> -> memref<128xi32, #tpu.memory_space<vmem>>
        %dma_start3A_329 = arith.constant 0 : i32
        %dma_start3A_330 = arith.constant 0 : i32
        %dma_start3A_331 = tpu.memref_slice %arg3[%dma_start3A_329, %dma_start3A_330] : memref<2000002x64xf32, #tpu.memory_space<hbm>> -> memref<2000002x64xf32, #tpu.memory_space<hbm>>
        tpu.enqueue_indirect_dma source(%dma_start3A_331 : memref<2000002x64xf32, #tpu.memory_space<hbm>>) target(%arg6 : memref<128x64xf32, #tpu.memory_space<vmem>>) offsets(%dma_start3A_328 : memref<128xi32, #tpu.memory_space<vmem>>) semaphore(%arg14 : memref<!tpu.dma_semaphore, #tpu.memory_space<semaphore_mem>>)
      } else {
      }
      %add3A_200 = arith.constant 8 : i32
      %add3A_201 = arith.addi %mul3A_65, %add3A_200 : i32
      %add3A_202 = arith.constant 1 : i32
      %add3A_203 = arith.addi %add3A_201, %add3A_202 : i32
      %add3A_204 = arith.constant 1 : i32
      %add3A_205 = arith.addi %mul3A_65, %add3A_204 : i32
      %mul3A_206 = arith.constant 128 : i32
      %mul3A_207 = arith.muli %add3A_205, %mul3A_206 : i32
      %add3A_208 = arith.addi %mul3A_2, %mul3A_207 : i32
      %dma_wait3A_209 = arith.constant 0 : i32
      %dma_wait3A_210 = tpu.memref_slice %arg4[%add3A_208, %dma_wait3A_209] : memref<819200x128xf32, #tpu.memory_space<hbm>> -> memref<128x64xf32, #tpu.memory_space<hbm>>
      %dma_wait3A_211 = arith.constant 0 : i32
      %dma_wait3A_212 = tpu.memref_slice %arg4[%add3A_208, %dma_wait3A_211] : memref<819200x128xf32, #tpu.memory_space<hbm>> -> memref<128x64xf32, #tpu.memory_space<hbm>>
      tpu.wait_dma2 semaphore(%arg23 : memref<!tpu.dma_semaphore, #tpu.memory_space<semaphore_mem>>) src(%arg7 : memref<128x64xf32, #tpu.memory_space<vmem>>) dst(%dma_wait3A_212 : memref<128x64xf32, #tpu.memory_space<hbm>>)
      %lt3A_213 = arith.constant 200 : i32
      %lt3A_214 = arith.cmpi slt, %add3A_203, %lt3A_213 : i32
      %convert_element_type3A_215 = arith.extui %lt3A_214 : i1 to i32
      %cond3A_216 = arith.constant 0 : i32
      %cond3A_217 = arith.cmpi ne, %convert_element_type3A_215, %cond3A_216 : i32
      scf.if %cond3A_217 {
        %dma_start3A_326 = arith.constant 0 : i32
        %dma_start3A_327 = tpu.memref_slice %arg5[%add3A_203, %dma_start3A_326] : memref<200x128xi32, #tpu.memory_space<vmem>> -> memref<1x128xi32, #tpu.memory_space<vmem>>
        %dma_start3A_328 = tpu.memref_squeeze %dma_start3A_327 : memref<1x128xi32, #tpu.memory_space<vmem>> -> memref<128xi32, #tpu.memory_space<vmem>>
        %dma_start3A_329 = arith.constant 0 : i32
        %dma_start3A_330 = arith.constant 0 : i32
        %dma_start3A_331 = tpu.memref_slice %arg3[%dma_start3A_329, %dma_start3A_330] : memref<2000002x64xf32, #tpu.memory_space<hbm>> -> memref<2000002x64xf32, #tpu.memory_space<hbm>>
        tpu.enqueue_indirect_dma source(%dma_start3A_331 : memref<2000002x64xf32, #tpu.memory_space<hbm>>) target(%arg7 : memref<128x64xf32, #tpu.memory_space<vmem>>) offsets(%dma_start3A_328 : memref<128xi32, #tpu.memory_space<vmem>>) semaphore(%arg15 : memref<!tpu.dma_semaphore, #tpu.memory_space<semaphore_mem>>)
      } else {
      }
      %add3A_218 = arith.constant 8 : i32
      %add3A_219 = arith.addi %mul3A_65, %add3A_218 : i32
      %add3A_220 = arith.constant 2 : i32
      %add3A_221 = arith.addi %add3A_219, %add3A_220 : i32
      %add3A_222 = arith.constant 2 : i32
      %add3A_223 = arith.addi %mul3A_65, %add3A_222 : i32
      %mul3A_224 = arith.constant 128 : i32
      %mul3A_225 = arith.muli %add3A_223, %mul3A_224 : i32
      %add3A_226 = arith.addi %mul3A_2, %mul3A_225 : i32
      %dma_wait3A_227 = arith.constant 0 : i32
      %dma_wait3A_228 = tpu.memref_slice %arg4[%add3A_226, %dma_wait3A_227] : memref<819200x128xf32, #tpu.memory_space<hbm>> -> memref<128x64xf32, #tpu.memory_space<hbm>>
      %dma_wait3A_229 = arith.constant 0 : i32
      %dma_wait3A_230 = tpu.memref_slice %arg4[%add3A_226, %dma_wait3A_229] : memref<819200x128xf32, #tpu.memory_space<hbm>> -> memref<128x64xf32, #tpu.memory_space<hbm>>
      tpu.wait_dma2 semaphore(%arg24 : memref<!tpu.dma_semaphore, #tpu.memory_space<semaphore_mem>>) src(%arg8 : memref<128x64xf32, #tpu.memory_space<vmem>>) dst(%dma_wait3A_230 : memref<128x64xf32, #tpu.memory_space<hbm>>)
      %lt3A_231 = arith.constant 200 : i32
      %lt3A_232 = arith.cmpi slt, %add3A_221, %lt3A_231 : i32
      %convert_element_type3A_233 = arith.extui %lt3A_232 : i1 to i32
      %cond3A_234 = arith.constant 0 : i32
      %cond3A_235 = arith.cmpi ne, %convert_element_type3A_233, %cond3A_234 : i32
      scf.if %cond3A_235 {
        %dma_start3A_326 = arith.constant 0 : i32
        %dma_start3A_327 = tpu.memref_slice %arg5[%add3A_221, %dma_start3A_326] : memref<200x128xi32, #tpu.memory_space<vmem>> -> memref<1x128xi32, #tpu.memory_space<vmem>>
        %dma_start3A_328 = tpu.memref_squeeze %dma_start3A_327 : memref<1x128xi32, #tpu.memory_space<vmem>> -> memref<128xi32, #tpu.memory_space<vmem>>
        %dma_start3A_329 = arith.constant 0 : i32
        %dma_start3A_330 = arith.constant 0 : i32
        %dma_start3A_331 = tpu.memref_slice %arg3[%dma_start3A_329, %dma_start3A_330] : memref<2000002x64xf32, #tpu.memory_space<hbm>> -> memref<2000002x64xf32, #tpu.memory_space<hbm>>
        tpu.enqueue_indirect_dma source(%dma_start3A_331 : memref<2000002x64xf32, #tpu.memory_space<hbm>>) target(%arg8 : memref<128x64xf32, #tpu.memory_space<vmem>>) offsets(%dma_start3A_328 : memref<128xi32, #tpu.memory_space<vmem>>) semaphore(%arg16 : memref<!tpu.dma_semaphore, #tpu.memory_space<semaphore_mem>>)
      } else {
      }
      %add3A_236 = arith.constant 8 : i32
      %add3A_237 = arith.addi %mul3A_65, %add3A_236 : i32
      %add3A_238 = arith.constant 3 : i32
      %add3A_239 = arith.addi %add3A_237, %add3A_238 : i32
      %add3A_240 = arith.constant 3 : i32
      %add3A_241 = arith.addi %mul3A_65, %add3A_240 : i32
      %mul3A_242 = arith.constant 128 : i32
      %mul3A_243 = arith.muli %add3A_241, %mul3A_242 : i32
      %add3A_244 = arith.addi %mul3A_2, %mul3A_243 : i32
      %dma_wait3A_245 = arith.constant 0 : i32
      %dma_wait3A_246 = tpu.memref_slice %arg4[%add3A_244, %dma_wait3A_245] : memref<819200x128xf32, #tpu.memory_space<hbm>> -> memref<128x64xf32, #tpu.memory_space<hbm>>
      %dma_wait3A_247 = arith.constant 0 : i32
      %dma_wait3A_248 = tpu.memref_slice %arg4[%add3A_244, %dma_wait3A_247] : memref<819200x128xf32, #tpu.memory_space<hbm>> -> memref<128x64xf32, #tpu.memory_space<hbm>>
      tpu.wait_dma2 semaphore(%arg25 : memref<!tpu.dma_semaphore, #tpu.memory_space<semaphore_mem>>) src(%arg9 : memref<128x64xf32, #tpu.memory_space<vmem>>) dst(%dma_wait3A_248 : memref<128x64xf32, #tpu.memory_space<hbm>>)
      %lt3A_249 = arith.constant 200 : i32
      %lt3A_250 = arith.cmpi slt, %add3A_239, %lt3A_249 : i32
      %convert_element_type3A_251 = arith.extui %lt3A_250 : i1 to i32
      %cond3A_252 = arith.constant 0 : i32
      %cond3A_253 = arith.cmpi ne, %convert_element_type3A_251, %cond3A_252 : i32
      scf.if %cond3A_253 {
        %dma_start3A_326 = arith.constant 0 : i32
        %dma_start3A_327 = tpu.memref_slice %arg5[%add3A_239, %dma_start3A_326] : memref<200x128xi32, #tpu.memory_space<vmem>> -> memref<1x128xi32, #tpu.memory_space<vmem>>
        %dma_start3A_328 = tpu.memref_squeeze %dma_start3A_327 : memref<1x128xi32, #tpu.memory_space<vmem>> -> memref<128xi32, #tpu.memory_space<vmem>>
        %dma_start3A_329 = arith.constant 0 : i32
        %dma_start3A_330 = arith.constant 0 : i32
        %dma_start3A_331 = tpu.memref_slice %arg3[%dma_start3A_329, %dma_start3A_330] : memref<2000002x64xf32, #tpu.memory_space<hbm>> -> memref<2000002x64xf32, #tpu.memory_space<hbm>>
        tpu.enqueue_indirect_dma source(%dma_start3A_331 : memref<2000002x64xf32, #tpu.memory_space<hbm>>) target(%arg9 : memref<128x64xf32, #tpu.memory_space<vmem>>) offsets(%dma_start3A_328 : memref<128xi32, #tpu.memory_space<vmem>>) semaphore(%arg17 : memref<!tpu.dma_semaphore, #tpu.memory_space<semaphore_mem>>)
      } else {
      }
      %add3A_254 = arith.constant 8 : i32
      %add3A_255 = arith.addi %mul3A_65, %add3A_254 : i32
      %add3A_256 = arith.constant 4 : i32
      %add3A_257 = arith.addi %add3A_255, %add3A_256 : i32
      %add3A_258 = arith.constant 4 : i32
      %add3A_259 = arith.addi %mul3A_65, %add3A_258 : i32
      %mul3A_260 = arith.constant 128 : i32
      %mul3A_261 = arith.muli %add3A_259, %mul3A_260 : i32
      %add3A_262 = arith.addi %mul3A_2, %mul3A_261 : i32
      %dma_wait3A_263 = arith.constant 0 : i32
      %dma_wait3A_264 = tpu.memref_slice %arg4[%add3A_262, %dma_wait3A_263] : memref<819200x128xf32, #tpu.memory_space<hbm>> -> memref<128x64xf32, #tpu.memory_space<hbm>>
      %dma_wait3A_265 = arith.constant 0 : i32
      %dma_wait3A_266 = tpu.memref_slice %arg4[%add3A_262, %dma_wait3A_265] : memref<819200x128xf32, #tpu.memory_space<hbm>> -> memref<128x64xf32, #tpu.memory_space<hbm>>
      tpu.wait_dma2 semaphore(%arg26 : memref<!tpu.dma_semaphore, #tpu.memory_space<semaphore_mem>>) src(%arg10 : memref<128x64xf32, #tpu.memory_space<vmem>>) dst(%dma_wait3A_266 : memref<128x64xf32, #tpu.memory_space<hbm>>)
      %lt3A_267 = arith.constant 200 : i32
      %lt3A_268 = arith.cmpi slt, %add3A_257, %lt3A_267 : i32
      %convert_element_type3A_269 = arith.extui %lt3A_268 : i1 to i32
      %cond3A_270 = arith.constant 0 : i32
      %cond3A_271 = arith.cmpi ne, %convert_element_type3A_269, %cond3A_270 : i32
      scf.if %cond3A_271 {
        %dma_start3A_326 = arith.constant 0 : i32
        %dma_start3A_327 = tpu.memref_slice %arg5[%add3A_257, %dma_start3A_326] : memref<200x128xi32, #tpu.memory_space<vmem>> -> memref<1x128xi32, #tpu.memory_space<vmem>>
        %dma_start3A_328 = tpu.memref_squeeze %dma_start3A_327 : memref<1x128xi32, #tpu.memory_space<vmem>> -> memref<128xi32, #tpu.memory_space<vmem>>
        %dma_start3A_329 = arith.constant 0 : i32
        %dma_start3A_330 = arith.constant 0 : i32
        %dma_start3A_331 = tpu.memref_slice %arg3[%dma_start3A_329, %dma_start3A_330] : memref<2000002x64xf32, #tpu.memory_space<hbm>> -> memref<2000002x64xf32, #tpu.memory_space<hbm>>
        tpu.enqueue_indirect_dma source(%dma_start3A_331 : memref<2000002x64xf32, #tpu.memory_space<hbm>>) target(%arg10 : memref<128x64xf32, #tpu.memory_space<vmem>>) offsets(%dma_start3A_328 : memref<128xi32, #tpu.memory_space<vmem>>) semaphore(%arg18 : memref<!tpu.dma_semaphore, #tpu.memory_space<semaphore_mem>>)
      } else {
      }
      %add3A_272 = arith.constant 8 : i32
      %add3A_273 = arith.addi %mul3A_65, %add3A_272 : i32
      %add3A_274 = arith.constant 5 : i32
      %add3A_275 = arith.addi %add3A_273, %add3A_274 : i32
      %add3A_276 = arith.constant 5 : i32
      %add3A_277 = arith.addi %mul3A_65, %add3A_276 : i32
      %mul3A_278 = arith.constant 128 : i32
      %mul3A_279 = arith.muli %add3A_277, %mul3A_278 : i32
      %add3A_280 = arith.addi %mul3A_2, %mul3A_279 : i32
      %dma_wait3A_281 = arith.constant 0 : i32
      %dma_wait3A_282 = tpu.memref_slice %arg4[%add3A_280, %dma_wait3A_281] : memref<819200x128xf32, #tpu.memory_space<hbm>> -> memref<128x64xf32, #tpu.memory_space<hbm>>
      %dma_wait3A_283 = arith.constant 0 : i32
      %dma_wait3A_284 = tpu.memref_slice %arg4[%add3A_280, %dma_wait3A_283] : memref<819200x128xf32, #tpu.memory_space<hbm>> -> memref<128x64xf32, #tpu.memory_space<hbm>>
      tpu.wait_dma2 semaphore(%arg27 : memref<!tpu.dma_semaphore, #tpu.memory_space<semaphore_mem>>) src(%arg11 : memref<128x64xf32, #tpu.memory_space<vmem>>) dst(%dma_wait3A_284 : memref<128x64xf32, #tpu.memory_space<hbm>>)
      %lt3A_285 = arith.constant 200 : i32
      %lt3A_286 = arith.cmpi slt, %add3A_275, %lt3A_285 : i32
      %convert_element_type3A_287 = arith.extui %lt3A_286 : i1 to i32
      %cond3A_288 = arith.constant 0 : i32
      %cond3A_289 = arith.cmpi ne, %convert_element_type3A_287, %cond3A_288 : i32
      scf.if %cond3A_289 {
        %dma_start3A_326 = arith.constant 0 : i32
        %dma_start3A_327 = tpu.memref_slice %arg5[%add3A_275, %dma_start3A_326] : memref<200x128xi32, #tpu.memory_space<vmem>> -> memref<1x128xi32, #tpu.memory_space<vmem>>
        %dma_start3A_328 = tpu.memref_squeeze %dma_start3A_327 : memref<1x128xi32, #tpu.memory_space<vmem>> -> memref<128xi32, #tpu.memory_space<vmem>>
        %dma_start3A_329 = arith.constant 0 : i32
        %dma_start3A_330 = arith.constant 0 : i32
        %dma_start3A_331 = tpu.memref_slice %arg3[%dma_start3A_329, %dma_start3A_330] : memref<2000002x64xf32, #tpu.memory_space<hbm>> -> memref<2000002x64xf32, #tpu.memory_space<hbm>>
        tpu.enqueue_indirect_dma source(%dma_start3A_331 : memref<2000002x64xf32, #tpu.memory_space<hbm>>) target(%arg11 : memref<128x64xf32, #tpu.memory_space<vmem>>) offsets(%dma_start3A_328 : memref<128xi32, #tpu.memory_space<vmem>>) semaphore(%arg19 : memref<!tpu.dma_semaphore, #tpu.memory_space<semaphore_mem>>)
      } else {
      }
      %add3A_290 = arith.constant 8 : i32
      %add3A_291 = arith.addi %mul3A_65, %add3A_290 : i32
      %add3A_292 = arith.constant 6 : i32
      %add3A_293 = arith.addi %add3A_291, %add3A_292 : i32
      %add3A_294 = arith.constant 6 : i32
      %add3A_295 = arith.addi %mul3A_65, %add3A_294 : i32
      %mul3A_296 = arith.constant 128 : i32
      %mul3A_297 = arith.muli %add3A_295, %mul3A_296 : i32
      %add3A_298 = arith.addi %mul3A_2, %mul3A_297 : i32
      %dma_wait3A_299 = arith.constant 0 : i32
      %dma_wait3A_300 = tpu.memref_slice %arg4[%add3A_298, %dma_wait3A_299] : memref<819200x128xf32, #tpu.memory_space<hbm>> -> memref<128x64xf32, #tpu.memory_space<hbm>>
      %dma_wait3A_301 = arith.constant 0 : i32
      %dma_wait3A_302 = tpu.memref_slice %arg4[%add3A_298, %dma_wait3A_301] : memref<819200x128xf32, #tpu.memory_space<hbm>> -> memref<128x64xf32, #tpu.memory_space<hbm>>
      tpu.wait_dma2 semaphore(%arg28 : memref<!tpu.dma_semaphore, #tpu.memory_space<semaphore_mem>>) src(%arg12 : memref<128x64xf32, #tpu.memory_space<vmem>>) dst(%dma_wait3A_302 : memref<128x64xf32, #tpu.memory_space<hbm>>)
      %lt3A_303 = arith.constant 200 : i32
      %lt3A_304 = arith.cmpi slt, %add3A_293, %lt3A_303 : i32
      %convert_element_type3A_305 = arith.extui %lt3A_304 : i1 to i32
      %cond3A_306 = arith.constant 0 : i32
      %cond3A_307 = arith.cmpi ne, %convert_element_type3A_305, %cond3A_306 : i32
      scf.if %cond3A_307 {
        %dma_start3A_326 = arith.constant 0 : i32
        %dma_start3A_327 = tpu.memref_slice %arg5[%add3A_293, %dma_start3A_326] : memref<200x128xi32, #tpu.memory_space<vmem>> -> memref<1x128xi32, #tpu.memory_space<vmem>>
        %dma_start3A_328 = tpu.memref_squeeze %dma_start3A_327 : memref<1x128xi32, #tpu.memory_space<vmem>> -> memref<128xi32, #tpu.memory_space<vmem>>
        %dma_start3A_329 = arith.constant 0 : i32
        %dma_start3A_330 = arith.constant 0 : i32
        %dma_start3A_331 = tpu.memref_slice %arg3[%dma_start3A_329, %dma_start3A_330] : memref<2000002x64xf32, #tpu.memory_space<hbm>> -> memref<2000002x64xf32, #tpu.memory_space<hbm>>
        tpu.enqueue_indirect_dma source(%dma_start3A_331 : memref<2000002x64xf32, #tpu.memory_space<hbm>>) target(%arg12 : memref<128x64xf32, #tpu.memory_space<vmem>>) offsets(%dma_start3A_328 : memref<128xi32, #tpu.memory_space<vmem>>) semaphore(%arg20 : memref<!tpu.dma_semaphore, #tpu.memory_space<semaphore_mem>>)
      } else {
      }
      %add3A_308 = arith.constant 8 : i32
      %add3A_309 = arith.addi %mul3A_65, %add3A_308 : i32
      %add3A_310 = arith.constant 7 : i32
      %add3A_311 = arith.addi %add3A_309, %add3A_310 : i32
      %add3A_312 = arith.constant 7 : i32
      %add3A_313 = arith.addi %mul3A_65, %add3A_312 : i32
      %mul3A_314 = arith.constant 128 : i32
      %mul3A_315 = arith.muli %add3A_313, %mul3A_314 : i32
      %add3A_316 = arith.addi %mul3A_2, %mul3A_315 : i32
      %dma_wait3A_317 = arith.constant 0 : i32
      %dma_wait3A_318 = tpu.memref_slice %arg4[%add3A_316, %dma_wait3A_317] : memref<819200x128xf32, #tpu.memory_space<hbm>> -> memref<128x64xf32, #tpu.memory_space<hbm>>
      %dma_wait3A_319 = arith.constant 0 : i32
      %dma_wait3A_320 = tpu.memref_slice %arg4[%add3A_316, %dma_wait3A_319] : memref<819200x128xf32, #tpu.memory_space<hbm>> -> memref<128x64xf32, #tpu.memory_space<hbm>>
      tpu.wait_dma2 semaphore(%arg29 : memref<!tpu.dma_semaphore, #tpu.memory_space<semaphore_mem>>) src(%arg13 : memref<128x64xf32, #tpu.memory_space<vmem>>) dst(%dma_wait3A_320 : memref<128x64xf32, #tpu.memory_space<hbm>>)
      %lt3A_321 = arith.constant 200 : i32
      %lt3A_322 = arith.cmpi slt, %add3A_311, %lt3A_321 : i32
      %convert_element_type3A_323 = arith.extui %lt3A_322 : i1 to i32
      %cond3A_324 = arith.constant 0 : i32
      %cond3A_325 = arith.cmpi ne, %convert_element_type3A_323, %cond3A_324 : i32
      scf.if %cond3A_325 {
        %dma_start3A_326 = arith.constant 0 : i32
        %dma_start3A_327 = tpu.memref_slice %arg5[%add3A_311, %dma_start3A_326] : memref<200x128xi32, #tpu.memory_space<vmem>> -> memref<1x128xi32, #tpu.memory_space<vmem>>
        %dma_start3A_328 = tpu.memref_squeeze %dma_start3A_327 : memref<1x128xi32, #tpu.memory_space<vmem>> -> memref<128xi32, #tpu.memory_space<vmem>>
        %dma_start3A_329 = arith.constant 0 : i32
        %dma_start3A_330 = arith.constant 0 : i32
        %dma_start3A_331 = tpu.memref_slice %arg3[%dma_start3A_329, %dma_start3A_330] : memref<2000002x64xf32, #tpu.memory_space<hbm>> -> memref<2000002x64xf32, #tpu.memory_space<hbm>>
        tpu.enqueue_indirect_dma source(%dma_start3A_331 : memref<2000002x64xf32, #tpu.memory_space<hbm>>) target(%arg13 : memref<128x64xf32, #tpu.memory_space<vmem>>) offsets(%dma_start3A_328 : memref<128xi32, #tpu.memory_space<vmem>>) semaphore(%arg21 : memref<!tpu.dma_semaphore, #tpu.memory_space<semaphore_mem>>)
      } else {
      }
    }
    %scan3A_62 = arith.constant 25 : i32
    return
  }
}

</mosaic_0001>

<sc_bundles>
// kernel: kernel.3.cloned.1.call-start
scs
__scs_entry_jumppad:
0x0: {  	(pc) =	sbr.rel $0x88, $3  }
0x1: {  	(tag) =	ssettag $0x0;
	lr =	simm.s32 $0x1  }
0x2: {  	[smem:$0x3F9F] =	sst lr;
	_ =	strace $0xD0000000  }
0x3: {  	_ = 	snop  }
0x4: {  	_ = 	snop  }
0x5: {  	_ = 	snop  }
0x6: {  	_ = 	snop  }
0x7: {  	_ = 	snop  }
__scs_overlays_trampoline_lowered:
0x8: {  	[smem:$0x3FAE] =	sst s0  }
0x9: {  	[smem:$0x3FAF] =	sst s1  }
0xa: {  	[smem:$0x3FB0] =	sst s2  }
0xb: {  	[smem:$0x3FB1] =	sst s3  }
0xc: {  	[smem:$0x3FB2] =	sst s4  }
0xd: {  	[smem:$0x3FB3] =	sst s5  }
0xe: {  	[smem:$0x3FB4] =	sst s6  }
0xf: {  	[smem:$0x3FB5] =	sst s7  }
0x10: {  	[smem:$0x3FB6] =	sst s8  }
0x11: {  	[smem:$0x3FB7] =	sst s9;
	s0 =	simm.s32 @!p0 $0x0  }
0x12: {  	s1 =	sld [smem:$0x3F9D];
	s0 =	simm.s32 @p0 $0x1  }
0x13: {  	[smem:$0x3FB8] =	sst s0;
	s0 =	simm.s32 @!p1 $0x0  }
0x14: {  	s2 =	sld [smem:$0x3F9C];
	s0 =	simm.s32 @p1 $0x1  }
0x15: {  	[smem:$0x3FB9] =	sst s0;
	s0 =	simm.s32 @!p2 $0x0  }
0x16: {  	s3 =	sld [smem:$0x3FDB];
	s0 =	simm.s32 @p2 $0x1  }
0x17: {  	s4 =	simm.s32 $0x1BF5;
	[smem:$0x3FBB] =	sst s0  }
0x18: {  	s0 =	sld [smem:$0x3F9E];
	_ =	swait.ge [sflag:s4], $0x0  }
0x19: {  	s7 =	sld [smem:$0x3F9F]  }
0x1a: {  	s8 =	sadd.s32 $0xFFFFE003, lr  }
0x1b: {  	s9 =	sadd.s32 $0xFFFFFEF7, lr;
	s5 =	simm.s32 $0xFFFFFFFF;
	p2 =	slt.u32 s8, $0xFFFFF086  }
0x1c: {  	p1 =	slt.u32 s9, $0xF7A;
	s5 =	simm.s32 @!p2 $0x0  }
0x1d: {  	s5 =	simm.s32 @p1 $0x1;
	p0 =	seq.s32 s7, s2  }
0x1e: {  	s7 =	smul.u32 @!p0 $0xF7A, s2;
	p2 =	seq.s32 @!p0 s5, $0x0  }
0x1f: {  	s9 =	smul.u32 $0xF7A, s1;
	s8 =	simm.s32 @!p0 $0x1BF5;
	p2 =	por !p2, p0  }
0x20: {  	[sflag:s8] =	ssyncset.s32 @!p0 $0xFFFFF086;
	s6 =	sadd.s32 @!p0 s3, s7;
	s7 =	simm.s32 @!p0 $0x108  }
0x21: {  	s3 =	sadd.s32 s3, s9;
	s6 =	sadd.s32 @!p0 $0x88, s6;
	s7 =	simm.s32 @p2 $0x1082  }
0x22: {  	[simem:s7], [sflag:s8] =	dma.local @!p0 [hbm:s6], $0xF7A  }
0x23: {  	s9 =	sor.u32 $0xD0000000, s2;
	s6 =	simm.s32 $0x108;
	_ =	swait.ge @!p0 [sflag:s8], $0x0  }
0x24: {  	s3 =	sadd.s32 $0x88, s3;
	s6 =	simm.s32 @!p1 $0x1082;
	[sflag:s4] =	ssyncset.s32 $0xFFFFF086  }
0x25: {  	[simem:s6], [sflag:s4] =	dma.local [hbm:s3], $0xF7A  }
0x26: {  	[smem:$0x3F9F] =	sst s1;
	(tag) =	ssettag s2;
	_ =	strace s9  }
0x27: {  	s1 =	sld [smem:$0x3FAF]  }
0x28: {  	s2 =	sld [smem:$0x3FB0]  }
0x29: {  	s4 =	sld [smem:$0x3FB2]  }
0x2a: {  	p0 =	seq.s32 s5, $0x0;
	s5 =	sld [smem:$0x3FB3]  }
0x2b: {  	s6 =	sld [smem:$0x3FB4]  }
0x2c: {  	s7 =	sld [smem:$0x3FB5]  }
0x2d: {  	s3 =	simm.s32 $0x108;
	s8 =	sld [smem:$0x3FB6]  }
0x2e: {  	s3 =	simm.s32 @!p0 $0x1082;
	s9 =	sld [smem:$0x3FB7]  }
0x2f: {  	lr =	sadd.s32 s0, s3;
	s0 =	sld [smem:$0x3FAE]  }
0x30: {  	s3 =	sld [smem:$0x3FB1]  }
0x31: {  	[smem:$0x3FBA] =	sst s10  }
0x32: {  	s10 =	sld [smem:$0x3FB8];
	_ =	sdelay $0x3  }
0x33: {  	p0 =	seq.s32 s10, $0x1;
	s10 =	sld [smem:$0x3FBA];
	_ =	sdelay $0x3  }
0x34: {  	[smem:$0x3FBA] =	sst s10  }
0x35: {  	s10 =	sld [smem:$0x3FB9];
	_ =	sdelay $0x3  }
0x36: {  	p1 =	seq.s32 s10, $0x1;
	s10 =	sld [smem:$0x3FBA];
	_ =	sdelay $0x3  }
0x37: {  	[smem:$0x3FBA] =	sst s10  }
0x38: {  	s10 =	sld [smem:$0x3FBB]  }
0x39: {  	_ = 	snop;
	(pc) =	sbr.ind lr, $3  }
0x3a: {  	_ = 	snop  }
0x3b: {  	_ = 	snop  }
0x3c: {  	p2 =	seq.s32 s10, $0x1;
	s10 =	sld [smem:$0x3FBA]  }
0x3d: {  	_ =	shalt  }
0x3e: {  	_ =	shalt  }
0x3f: {  	_ =	shalt  }
0x40: {  	_ =	shalt  }
0x41: {  	_ =	shalt  }
0x42: {  	_ =	shalt  }
0x43: {  	_ =	shalt  }
0x44: {  	_ =	shalt  }
0x45: {  	_ =	shalt  }
0x46: {  	_ =	shalt  }
0x47: {  	_ =	shalt  }
0x48: {  	_ =	shalt  }
0x49: {  	_ =	shalt  }
0x4a: {  	_ =	shalt  }
0x4b: {  	_ =	shalt  }
0x4c: {  	_ =	shalt  }
0x4d: {  	_ =	shalt  }
0x4e: {  	_ =	shalt  }
0x4f: {  	_ =	shalt  }
0x50: {  	_ =	shalt  }
0x51: {  	_ =	shalt  }
0x52: {  	_ =	shalt  }
0x53: {  	_ =	shalt  }
0x54: {  	_ =	shalt  }
0x55: {  	_ =	shalt  }
0x56: {  	_ =	shalt  }
0x57: {  	_ =	shalt  }
0x58: {  	_ =	shalt  }
0x59: {  	_ =	shalt  }
0x5a: {  	_ =	shalt  }
0x5b: {  	_ =	shalt  }
0x5c: {  	_ =	shalt  }
0x5d: {  	_ =	shalt  }
0x5e: {  	_ =	shalt  }
0x5f: {  	_ =	shalt  }
0x60: {  	_ =	shalt  }
0x61: {  	_ =	shalt  }
0x62: {  	_ =	shalt  }
0x63: {  	_ =	shalt  }
0x64: {  	_ =	shalt  }
0x65: {  	_ =	shalt  }
0x66: {  	_ =	shalt  }
0x67: {  	_ =	shalt  }
0x68: {  	_ =	shalt  }
0x69: {  	_ =	shalt  }
0x6a: {  	_ =	shalt  }
0x6b: {  	_ =	shalt  }
0x6c: {  	_ =	shalt  }
0x6d: {  	_ =	shalt  }
0x6e: {  	_ =	shalt  }
0x6f: {  	_ =	shalt  }
0x70: {  	_ =	shalt  }
0x71: {  	_ =	shalt  }
0x72: {  	_ =	shalt  }
0x73: {  	_ =	shalt  }
0x74: {  	_ =	shalt  }
0x75: {  	_ =	shalt  }
0x76: {  	_ =	shalt  }
0x77: {  	_ =	shalt  }
0x78: {  	_ =	shalt  }
0x79: {  	_ =	shalt  }
0x7a: {  	_ =	shalt  }
0x7b: {  	_ =	shalt  }
0x7c: {  	_ =	shalt  }
0x7d: {  	_ =	shalt  }
0x7e: {  	_ =	shalt  }
0x7f: {  	_ =	shalt  }
0x80: {  	_ =	shalt  }
0x81: {  	_ =	shalt  }
0x82: {  	_ =	shalt  }
0x83: {  	_ =	shalt  }
0x84: {  	_ =	shalt  }
0x85: {  	_ =	shalt  }
0x86: {  	_ =	shalt  }
0x87: {  	_ =	shalt  }
.Lfunc_end0:
.L_simem_size_0:
called_computation.2_lowered:
.L_overlay_start_0:
0x88: {  	s2 =	sld [smem:$0x3FD9]  }
0x89: {  	s3 =	sld [smem:$0x3FFE];
	_ =	sdelay $0x1  }
0x8a: {  	s1 =	srdreg.scid  }
0x8b: {  	s0 =	sand.u32 $0x1, s1  }
0x8c: {  	s17 =	sshll.u32 s0, $0xA;
	s2 =	sadd.s32 s3, s2  }
0x8d: {  	s2 =	sadd.s32 s2, s17  }
0x8e: {  	[smem:$0x3FC6] =	sst s2  }
0x8f: {  	_ = 	snop  }
0x90: {  	s2 =	sld [smem:$0x3FD0];
	(tm) =	ssettm $0x1  }
0x91: {  	s18 =	sld [smem:$0x3FFB];
	_ =	sdelay $0x3  }
0x92: {  	_ =	strace s18  }
0x93: {  	s3 =	sld [smem:$0x3FFC];
	_ =	sdelay $0x3  }
0x94: {  	_ =	strace s3  }
0x95: {  	s3 =	sld [smem:$0x3FFD];
	_ =	sdelay $0x3  }
0x96: {  	_ =	strace s3  }
0x97: {  	_ =	strace $0x8FFFFFFF  }
0x98: {  	s19 =	sld [smem:$0x3FDB];
	_ =	sdelay $0x1  }
0x99: {  	s4 =	simm.s32 $_scs_section_size  }
0x9a: {  	s5 =	simm.s32 $_size__tile_overlayer_lowered;
	s6 =	simm.s32 $_tile_overlayer_lowered  }
0x9b: {  	s22 =	simm.s32 $0x1BFF;
	s21 =	sshll.u32 s6, $0x1;
	s3 =	sadd.s32 s4, s19  }
0x9c: {  	s7 =	simm.s32 $0x0;
	s20 =	sshll.u32 s5, $0x1;
	s5 =	sadd.s32 s21, s3  }
0x9d: {  	[timem:s7], [sflag:s22] =	dma.local [hbm:s5], s20  }
0x9e: {  	_ =	swait.ge [sflag:s22], s20  }
0x9f: {  	s4 =	ssub.s32 $0x0, s20;
	[sflag:s22] =	ssyncset.done $0x0  }
0xa0: {  	[sflag:s22] =	ssyncadd.s32 s4;
	_ =	sdelay $0x1  }
0xa1: {  	s23 =	simm.s32 $0x1B8B  }
0xa2: {  	_ =	swait.ge [sflag:s23], $0x1  }
0xa3: {  	[sflag:s23] =	ssyncset.done $0x0  }
0xa4: {  	s25 =	simm.s32 $0x1B8E;
	s24 =	sld [smem:$0x3FFE];
	[sflag:s23] =	ssyncadd.s32 $0xFFFFFFFF  }
0xa5: {  	s26 =	simm.s32 $execute0_lowered;
	[smem:$0x3FD2] =	sst s25  }
0xa6: {  	s5 =	sshll.u32 s26, $0x1;
	_ =	strace $0x80000049;
	[dreg:$0x1] =	wrdreg $0xFFFFFFFF  }
0xa7: {  	s28 =	simm.s32 $_size_execute0_lowered;
	s3 =	sadd.s32 s3, s5;
	[dreg:$0x0] =	wrdreg $0x0  }
0xa8: {  	s5 =	sshll.u32 s28, $0x1;
	[dreg:$0x2] =	wrdreg s3  }
0xa9: {  	[dreg:$0x3] =	wrdreg s5  }
0xaa: {  	[dreg:$0x4] =	wrdreg $0xC0  }
0xab: {  	_ =	task [dreg:s7], $0x5FFFF  }
0xac: {  	[dreg:$0x1] =	wrdreg $0xFFFFFFFF  }
0xad: {  	[dreg:$0x0] =	wrdreg $0x60  }
0xae: {  	[dreg:$0x2] =	wrdreg s2  }
0xaf: {  	[dreg:$0x3] =	wrdreg s24  }
0xb0: {  	[dreg:$0x4] =	wrdreg $0x9  }
0xb1: {  	_ =	task.clear_ibuf [dreg:s7], $0x5FFFF;
	_ =	strace $0x90000049  }
0xb2: {  	s29 =	simm.s32 $0x9;
	_ =	strace $0x8000004B  }
0xb3: {  	_ =	swait.ge [sflag:s29], $0x1  }
0xb4: {  	[sflag:s29] =	ssyncadd.s32 $0xFFFFFFFF  }
0xb5: {  	_ =	strace $0x9000004B  }
0xb6: {  	_ =	sfence  }
0xb7: {  	s30 =	sld [smem:$0x0];
	_ =	sdelay $0x2  }
0xb8: {  	s31 =	sshll.u32 s1, $0xD;
	s1 =	sshrl.u32 s1, $0x2  }
0xb9: {  	s3 =	sand.u32 $0x4000, s31;
	s1 =	sadd.s32 s1, s30  }
0xba: {  	s0 =	sor.u32 s3, s0;
	s1 =	sshll.u32 s1, $0x11  }
0xbb: {  	s0 =	sor.u32 s1, s0  }
0xbc: {  	s0 =	sadd.s32 $0x8F2B, s0  }
0xbd: {  	[sflag:s0] =	ssyncadd.remote.s32 $0x1  }
0xbe: {  	_ =	sfence.sel $0xFFFF  }
0xbf: {  	[dreg:$0x0] =	wrdreg $0xFFFFFFFF;
	(pc) =	sbr.abs _section_cstart, $3  }
0xc0: {  	[dreg:$0x1] =	wrdreg $0xFFFFFFFF  }
0xc1: {  	_ =	task.clear_ibuf [dreg:s7], $0x2FFFF;
	_ =	strace $0x9FFFFFFF  }
0xc2: {  	(tm) =	ssettm $0x7FFFFFFF  }
0xc3: {  	_ =	shalt  }
tec
execute0_lowered:
.L_overlay_start_1:
0x0: {  	(tag) =	ssettag $0x1  }
0x1: {  	s0 =	rddreg [dreg:$0x0];
	s1 =	srdreg.scid  }
0x2: {  	s6 =	stileid.u32;
	s2 =	rddreg [dreg:$0x1]  }
0x3: {  	s4 =	simm.s32 $0x0;
	s16 =	simm.s32 $0x80;
	s17 =	simm.s32 $0x6400  }
0x4: {  	s29 =	simm.s32 $0x12400;
	s31 =	simm.s32 $0x14400;
	s28 =	simm.s32 $0x6  }
0x5: {  	s30 =	simm.s32 $0x7;
	s15 =	simm.s32 $0xC;
	s5 =	smul.u32 $0x640000, s6  }
0x6: {  	s1 =	sand.u32 $0x1, s1;
	s3 =	sshll.u32 s6, $0x1;
	s6 =	smul.u32 $0xC800, s6  }
0x7: {  	s9 =	simm.s32 $0xF;
	s10 =	simm.s32 $0x10;
	s7 =	smul.u32 $0x6400, s1  }
0x8: {  	s3 =	sor.u32 s1, s3;
	s19 =	ssub.s32 $0x2, s1;
	s1 =	smul.u32 $0x320000, s1  }
0x9: {  	s12 =	simm.s32 $0x0;
	[smem:$0x7FF] =	sst s4;
	s18 =	smul.u32 $0x6400, s3  }
0xa: {  	s3 =	sadd.s32 $0xF43400, s2;
	s2 =	sadd.s32 $0xE00, s2;
	s8 =	sshrl.u32 s19, $0x1  }
0xb: {  	_ =	strace $0x8000004A;
	[dreg:$0x3] =	wrdreg s2;
	s2 =	ssub.s32 s19, s8  }
0xc: {  	s20 =	sadd.s32 s7, s6;
	s1 =	sadd.s32 s1, s5;
	s19 =	simm.s32 $0x2  }
0xd: {  	s5 =	simm.s32 $0xA;
	s4 =	sshrl.u32 s18, $0x3;
	s2 =	smax.u32 s2, $0x1  }
0xe: {  	s6 =	simm.s32 $0xB;
	s0 =	sadd.s32 s0, s4;
	[dreg:$0x5] =	wrdreg s2  }
0xf: {  	s1 =	sshrl.u32 s1, $0x3;
	[dreg:$0x4] =	wrdreg s0;
	s0 =	sshll.u32 s20, $0x4  }
0x10: {  	s7 =	simm.s32 $0xD;
	[dreg:$0x6] =	wrdreg s1;
	s21 =	sor.u32 $0x3800, s0  }
0x11: {  	s8 =	simm.s32 $0xE;
	s22 =	sor.u32 $0x3000, s0;
	[dreg:$0x7] =	wrdreg s21  }
0x12: {  	s18 =	simm.s32 $0x8400;
	s23 =	sor.u32 $0x2800, s0;
	[dreg:$0x8] =	wrdreg s22  }
0x13: {  	s1 =	simm.s32 $0x1;
	s24 =	sor.u32 $0x2000, s0;
	[dreg:$0x9] =	wrdreg s23  }
0x14: {  	s2 =	simm.s32 $0x8;
	s25 =	sor.u32 $0x1800, s0;
	[dreg:$0xa] =	wrdreg s24  }
.Ltmp0:
0x15: {  	s26 =	sor.u32 $0x1000, s0;
	[dreg:$0xb] =	wrdreg s25;
	(pc) =	sbr.rel .LBB2_1-.Ltmp0, $4  }
0x16: {  	s4 =	simm.s32 $0x9;
	s0 =	sor.u32 $0x800, s0;
	[dreg:$0xc] =	wrdreg s26  }
0x17: {  	s20 =	simm.s32 $0xA400;
	[dreg:$0xd] =	wrdreg s0;
	s22 =	simm.s32 $0xC400  }
0x18: {  	s24 =	simm.s32 $0xE400;
	s26 =	simm.s32 $0x10400;
	s0 =	simm.s32 $0x40  }
0x19: {  	s21 =	simm.s32 $0x3;
	s23 =	simm.s32 $0x4;
	s25 =	simm.s32 $0x5  }
.LBB2_4:
0x1a: {  	_ =	swait.ge [sflag:s5], $0x2000  }
0x1b: {  	[sflag:s5] =	ssyncset.done $0x0  }
0x1c: {  	[sflag:s5] =	ssyncadd.s32 $0xFFFFE000  }
0x1d: {  	_ =	swait.ge [sflag:s6], $0x2000  }
0x1e: {  	[sflag:s6] =	ssyncset.done $0x0  }
0x1f: {  	[sflag:s6] =	ssyncadd.s32 $0xFFFFE000  }
0x20: {  	_ =	swait.ge [sflag:s15], $0x2000  }
0x21: {  	[sflag:s15] =	ssyncset.done $0x0  }
0x22: {  	[sflag:s15] =	ssyncadd.s32 $0xFFFFE000  }
0x23: {  	_ =	swait.ge [sflag:s7], $0x2000  }
0x24: {  	[sflag:s7] =	ssyncset.done $0x0  }
0x25: {  	[sflag:s7] =	ssyncadd.s32 $0xFFFFE000  }
0x26: {  	_ =	swait.ge [sflag:s8], $0x2000  }
0x27: {  	[sflag:s8] =	ssyncset.done $0x0  }
0x28: {  	[sflag:s8] =	ssyncadd.s32 $0xFFFFE000  }
0x29: {  	_ =	swait.ge [sflag:s9], $0x2000  }
0x2a: {  	[sflag:s9] =	ssyncset.done $0x0  }
0x2b: {  	[sflag:s9] =	ssyncadd.s32 $0xFFFFE000  }
0x2c: {  	_ =	swait.ge [sflag:s10], $0x2000  }
0x2d: {  	s12 =	rddreg [dreg:$0xe]  }
0x2e: {  	s11 =	rddreg [dreg:$0x5];
	s12 =	sadd.s32 $0x1, s12  }
0x2f: {  	p0 =	sne.s32 s12, s11  }
.Ltmp1:
0x30: {  	_ = 	snop;
	(pc) =	sbr.rel @!p0 .LBB2_5-.Ltmp1, $3  }
0x31: {  	_ =	sdelay $0x1  }
0x32: {  	[sflag:s10] =	ssyncset.done $0x0  }
0x33: {  	[sflag:s10] =	ssyncadd.s32 $0xFFFFE000  }
.LBB2_1:
0x34: {  	[dreg:$0xe] =	wrdreg s12  }
0x35: {  	s11 =	simm.s32 $0x0;
	s13 =	rddreg [dreg:$0x4];
	s14 =	simm.s32 $0x11  }
0x36: {  	[tilespmem:s11], [sflag:$0x11] =	stream.linear.gather [hbm4b:s13+s11], $0x6400, $0x38;
	[tilespmem:$0x16400] =	vst v63  }
0x37: {  	_ =	swait.ge [sflag:s14], $0x6400  }
0x38: {  	[sflag:s14] =	ssyncset.done $0x0  }
0x39: {  	[sflag:s14] =	ssyncadd.s32 $0xFFFF9C00  }
0x3a: {  	[tilespmem:s17], [sflag:$0x1] =	stream.indirect.gather [hbm4b:s3+s16], $0x40, s11, s16, $0xb8;
	[tilespmem:$0x16400] =	vst v63  }
0x3b: {  	_ = 	snop  }
0x3c: {  	[tilespmem:s18], [sflag:$0x2] =	stream.indirect.gather [hbm4b:s3+s16], $0x40, s16, s16, $0xb8;
	[tilespmem:$0x16400] =	vst v63  }
0x3d: {  	s12 =	simm.s32 $0x100  }
0x3e: {  	[tilespmem:s20], [sflag:$0x3] =	stream.indirect.gather [hbm4b:s3+s16], $0x40, s12, s16, $0xb8;
	[tilespmem:$0x16400] =	vst v63  }
0x3f: {  	s13 =	simm.s32 $0x180  }
0x40: {  	[tilespmem:s22], [sflag:$0x4] =	stream.indirect.gather [hbm4b:s3+s16], $0x40, s13, s16, $0xb8;
	[tilespmem:$0x16400] =	vst v63  }
0x41: {  	s14 =	simm.s32 $0x200  }
0x42: {  	[tilespmem:s24], [sflag:$0x5] =	stream.indirect.gather [hbm4b:s3+s16], $0x40, s14, s16, $0xb8;
	[tilespmem:$0x16400] =	vst v63  }
0x43: {  	s12 =	simm.s32 $0x280  }
0x44: {  	[tilespmem:s26], [sflag:$0x6] =	stream.indirect.gather [hbm4b:s3+s16], $0x40, s12, s16, $0xb8;
	[tilespmem:$0x16400] =	vst v63  }
0x45: {  	s13 =	simm.s32 $0x300  }
0x46: {  	[tilespmem:s29], [sflag:$0x7] =	stream.indirect.gather [hbm4b:s3+s16], $0x40, s13, s16, $0xb8;
	[tilespmem:$0x16400] =	vst v63  }
0x47: {  	s11 =	rddreg [dreg:$0x3];
	s14 =	simm.s32 $0x380;
	s12 =	simm.s32 $0x0  }
0x48: {  	[tilespmem:s31], [sflag:$0x8] =	stream.indirect.gather [hbm4b:s3+s16], $0x40, s14, s16, $0xb8;
	[tilespmem:$0x16400] =	vst v63  }
.LBB2_2:
0x49: {  	_ =	swait.ge [sflag:s1], $0x2000  }
0x4a: {  	[sflag:s1] =	ssyncset.done $0x0;
	s13 =	rddreg [dreg:$0x6]  }
0x4b: {  	[sflag:s1] =	ssyncadd.s32 $0xFFFFE000;
	s13 =	sadd.s32 s11, s13  }
0x4c: {  	[hbm4b:s13+s0] =	stream.strided.scatter [tilespmem:s17], [sflag:$0x9], $0x2000, s16, s0, $0x38;
	[tilespmem:$0x16400] =	vst v63  }
0x4d: {  	_ =	swait.ge [sflag:s19], $0x2000  }
0x4e: {  	[sflag:s19] =	ssyncset.done $0x0;
	s14 =	rddreg [dreg:$0xd]  }
0x4f: {  	[sflag:s19] =	ssyncadd.s32 $0xFFFFE000;
	s13 =	sadd.s32 s11, s14  }
0x50: {  	[hbm4b:s13+s0] =	stream.strided.scatter [tilespmem:s18], [sflag:$0xA], $0x2000, s16, s0, $0x38;
	[tilespmem:$0x16400] =	vst v63  }
0x51: {  	_ =	swait.ge [sflag:s21], $0x2000  }
0x52: {  	[sflag:s21] =	ssyncset.done $0x0;
	s14 =	rddreg [dreg:$0xc]  }
0x53: {  	[sflag:s21] =	ssyncadd.s32 $0xFFFFE000;
	s13 =	sadd.s32 s11, s14  }
0x54: {  	[hbm4b:s13+s0] =	stream.strided.scatter [tilespmem:s20], [sflag:$0xB], $0x2000, s16, s0, $0x38;
	[tilespmem:$0x16400] =	vst v63  }
0x55: {  	_ =	swait.ge [sflag:s23], $0x2000  }
0x56: {  	[sflag:s23] =	ssyncset.done $0x0;
	s14 =	rddreg [dreg:$0xb]  }
0x57: {  	[sflag:s23] =	ssyncadd.s32 $0xFFFFE000;
	s13 =	sadd.s32 s11, s14  }
0x58: {  	[hbm4b:s13+s0] =	stream.strided.scatter [tilespmem:s22], [sflag:$0xC], $0x2000, s16, s0, $0x38;
	[tilespmem:$0x16400] =	vst v63  }
0x59: {  	_ =	swait.ge [sflag:s25], $0x2000  }
0x5a: {  	[sflag:s25] =	ssyncset.done $0x0;
	s14 =	rddreg [dreg:$0xa]  }
0x5b: {  	[sflag:s25] =	ssyncadd.s32 $0xFFFFE000;
	s13 =	sadd.s32 s11, s14  }
0x5c: {  	[hbm4b:s13+s0] =	stream.strided.scatter [tilespmem:s24], [sflag:$0xD], $0x2000, s16, s0, $0x38;
	[tilespmem:$0x16400] =	vst v63  }
0x5d: {  	_ =	swait.ge [sflag:s28], $0x2000  }
0x5e: {  	[sflag:s28] =	ssyncset.done $0x0;
	s14 =	rddreg [dreg:$0x9]  }
0x5f: {  	[sflag:s28] =	ssyncadd.s32 $0xFFFFE000;
	s13 =	sadd.s32 s11, s14  }
0x60: {  	[hbm4b:s13+s0] =	stream.strided.scatter [tilespmem:s26], [sflag:$0xE], $0x2000, s16, s0, $0x38;
	[tilespmem:$0x16400] =	vst v63  }
0x61: {  	_ =	swait.ge [sflag:s30], $0x2000  }
0x62: {  	[sflag:s30] =	ssyncset.done $0x0;
	s14 =	rddreg [dreg:$0x8]  }
0x63: {  	[sflag:s30] =	ssyncadd.s32 $0xFFFFE000;
	s13 =	sadd.s32 s11, s14  }
0x64: {  	[hbm4b:s13+s0] =	stream.strided.scatter [tilespmem:s29], [sflag:$0xF], $0x2000, s16, s0, $0x38;
	[tilespmem:$0x16400] =	vst v63  }
0x65: {  	_ =	swait.ge [sflag:s2], $0x2000  }
0x66: {  	p0 =	seq.s32 s12, $0x18000;
	[sflag:s2] =	ssyncset.done $0x0;
	s14 =	rddreg [dreg:$0x7]  }
.Ltmp2:
0x67: {  	[sflag:s2] =	ssyncadd.s32 $0xFFFFE000;
	s13 =	sadd.s32 s11, s14;
	(pc) =	sbr.rel @p0 .LBB2_4-.Ltmp2, $4  }
0x68: {  	[hbm4b:s13+s0] =	stream.strided.scatter [tilespmem:s31], [sflag:$0x10], $0x2000, s16, s0, $0x38;
	[tilespmem:$0x16400] =	vst v63  }
0x69: {  	_ =	swait.ge [sflag:s4], $0x2000  }
0x6a: {  	[sflag:s4] =	ssyncset.done $0x0  }
0x6b: {  	[sflag:s4] =	ssyncadd.s32 $0xFFFFE000  }
0x6c: {  	s13 =	sshra.s32 s12, $0x2  }
0x6d: {  	s14 =	sadd.s32 $0x400, s13  }
0x6e: {  	[tilespmem:s17], [sflag:$0x1] =	stream.indirect.gather [hbm4b:s3+s16], $0x40, s14, s16, $0xb8;
	[tilespmem:$0x16400] =	vst v63  }
0x6f: {  	_ =	swait.ge [sflag:s5], $0x2000  }
0x70: {  	[sflag:s5] =	ssyncset.done $0x0  }
0x71: {  	s14 =	sadd.s32 $0x480, s13;
	[sflag:s5] =	ssyncadd.s32 $0xFFFFE000  }
0x72: {  	[tilespmem:s18], [sflag:$0x2] =	stream.indirect.gather [hbm4b:s3+s16], $0x40, s14, s16, $0xb8;
	[tilespmem:$0x16400] =	vst v63  }
0x73: {  	_ =	swait.ge [sflag:s6], $0x2000  }
0x74: {  	[sflag:s6] =	ssyncset.done $0x0  }
0x75: {  	s14 =	sadd.s32 $0x500, s13;
	[sflag:s6] =	ssyncadd.s32 $0xFFFFE000  }
0x76: {  	[tilespmem:s20], [sflag:$0x3] =	stream.indirect.gather [hbm4b:s3+s16], $0x40, s14, s16, $0xb8;
	[tilespmem:$0x16400] =	vst v63  }
0x77: {  	_ =	swait.ge [sflag:s15], $0x2000  }
0x78: {  	[sflag:s15] =	ssyncset.done $0x0  }
0x79: {  	s14 =	sadd.s32 $0x580, s13;
	[sflag:s15] =	ssyncadd.s32 $0xFFFFE000  }
0x7a: {  	[tilespmem:s22], [sflag:$0x4] =	stream.indirect.gather [hbm4b:s3+s16], $0x40, s14, s16, $0xb8;
	[tilespmem:$0x16400] =	vst v63  }
0x7b: {  	_ =	swait.ge [sflag:s7], $0x2000  }
0x7c: {  	[sflag:s7] =	ssyncset.done $0x0  }
0x7d: {  	s14 =	sadd.s32 $0x600, s13;
	[sflag:s7] =	ssyncadd.s32 $0xFFFFE000  }
0x7e: {  	[tilespmem:s24], [sflag:$0x5] =	stream.indirect.gather [hbm4b:s3+s16], $0x40, s14, s16, $0xb8;
	[tilespmem:$0x16400] =	vst v63  }
0x7f: {  	_ =	swait.ge [sflag:s8], $0x2000  }
0x80: {  	[sflag:s8] =	ssyncset.done $0x0  }
0x81: {  	s14 =	sadd.s32 $0x680, s13;
	[sflag:s8] =	ssyncadd.s32 $0xFFFFE000  }
0x82: {  	[tilespmem:s26], [sflag:$0x6] =	stream.indirect.gather [hbm4b:s3+s16], $0x40, s14, s16, $0xb8;
	[tilespmem:$0x16400] =	vst v63  }
0x83: {  	_ =	swait.ge [sflag:s9], $0x2000  }
0x84: {  	[sflag:s9] =	ssyncset.done $0x0  }
0x85: {  	s14 =	sadd.s32 $0x700, s13;
	[sflag:s9] =	ssyncadd.s32 $0xFFFFE000  }
0x86: {  	[tilespmem:s29], [sflag:$0x7] =	stream.indirect.gather [hbm4b:s3+s16], $0x40, s14, s16, $0xb8;
	[tilespmem:$0x16400] =	vst v63  }
.Ltmp3:
0x87: {  	_ = 	snop;
	(pc) =	sbr.rel .LBB2_2-.Ltmp3, $4  }
0x88: {  	_ =	swait.ge [sflag:s10], $0x2000  }
0x89: {  	s12 =	sadd.s32 $0x1000, s12;
	[sflag:s10] =	ssyncset.done $0x0  }
0x8a: {  	s11 =	sadd.s32 $0x4000, s11;
	s13 =	sadd.s32 $0x780, s13;
	[sflag:s10] =	ssyncadd.s32 $0xFFFFE000  }
0x8b: {  	[tilespmem:s31], [sflag:$0x8] =	stream.indirect.gather [hbm4b:s3+s16], $0x40, s13, s16, $0xb8;
	[tilespmem:$0x16400] =	vst v63  }
.LBB2_5:
0x8c: {  	_ =	sfence.sel $0x180000  }
0x8d: {  	[bflag:$0x0] =	sbarrier.arrive $0xFFFF  }
0x8e: {  	_ =	strace $0x9000004A  }
0x8f: {  	s0 =	stileid.u32;
	[bflag:$0x2] =	sbarrier.arrive $0xFFFF  }
0x90: {  	p0 =	sne.s32 s0, $0x0;
	s0 =	rddreg [dreg:$0x2]  }
0x91: {  	s0 =	sadd.s32 @!p0 $0x100000, s0  }
0x92: {  	[sflag:s0] =	ssyncadd.tile.s32 @!p0 $0x1;
	_ =	shalt  }
.Lfunc_end2:
_tile_overlayer_lowered:
.L_overlay_start_2:
0x93: {  	(tag) =	ssettag $0x2  }
0x94: {  	s0 =	rddreg [dreg:$0x0];
	s2 =	stileid.u32  }
0x95: {  	s1 =	rddreg [dreg:$0x1];
	p0 =	sne.s32 s2, $0x0  }
0x96: {  	s3 =	rddreg [dreg:$0x2];
	[bflag:$0x3] =	sbarrier.arrive $0xFFFF;
	s2 =	simm.s32 @!p0 $0x1C11  }
0x97: {  	[timem:s3], [sflag:s2] =	dma.local @!p0 [hbm:s0], s1  }
0x98: {  	s0 =	simm.s32 @!p0 $0x11  }
0x99: {  	_ =	swait.ge @!p0 [sflag:s0], s1  }
0x9a: {  	s1 =	ssub.s32 @!p0 $0x0, s1;
	[sflag:s0] =	ssyncset.done @!p0 $0x0  }
0x9b: {  	[sflag:s0] =	ssyncadd.s32 @!p0 s1  }
0x9c: {  	[bflag:$0x3] =	sbarrier.arrive $0xFFFF  }
0x9d: {  	_ =	shalt  }

// kernel: sparse-core-data-format-call.1.cloned.1.call-start
scs
called_computation.1_lowered:
.L_overlay_start_0:
0x0: {  	s2 =	sld [smem:$0x3FD9]  }
0x1: {  	s3 =	sld [smem:$0x3FFE];
	_ =	sdelay $0x1  }
0x2: {  	s1 =	srdreg.scid  }
0x3: {  	s0 =	sand.u32 $0x1, s1  }
0x4: {  	s18 =	sshll.u32 s0, $0xA;
	s2 =	sadd.s32 s3, s2  }
0x5: {  	s2 =	sadd.s32 s2, s18  }
0x6: {  	[smem:$0x3FC6] =	sst s2  }
0x7: {  	_ = 	snop  }
0x8: {  	s2 =	sld [smem:$0x3FC8];
	(tm) =	ssettm $0x1  }
0x9: {  	s19 =	sld [smem:$0x3FFB];
	_ =	sdelay $0x3  }
0xa: {  	_ =	strace s19  }
0xb: {  	s3 =	sld [smem:$0x3FFC];
	_ =	sdelay $0x3  }
0xc: {  	_ =	strace s3  }
0xd: {  	s3 =	sld [smem:$0x3FFD];
	_ =	sdelay $0x3  }
0xe: {  	_ =	strace s3  }
0xf: {  	_ =	strace $0x8FFFFFFF  }
0x10: {  	s20 =	sld [smem:$0x3FDB];
	_ =	sdelay $0x1  }
0x11: {  	s4 =	simm.s32 $_scs_section_size  }
0x12: {  	s5 =	simm.s32 $_size__tile_overlayer_lowered;
	s6 =	simm.s32 $_tile_overlayer_lowered  }
0x13: {  	s23 =	simm.s32 $0x1BFF;
	s22 =	sshll.u32 s6, $0x1;
	s3 =	sadd.s32 s4, s20  }
0x14: {  	s7 =	simm.s32 $0x0;
	s21 =	sshll.u32 s5, $0x1;
	s5 =	sadd.s32 s22, s3  }
0x15: {  	[timem:s7], [sflag:s23] =	dma.local [hbm:s5], s21  }
0x16: {  	_ =	swait.ge [sflag:s23], s21  }
0x17: {  	s4 =	ssub.s32 $0x0, s21;
	[sflag:s23] =	ssyncset.done $0x0  }
0x18: {  	[sflag:s23] =	ssyncadd.s32 s4;
	_ =	sdelay $0x1  }
0x19: {  	s24 =	simm.s32 $0x1B8B  }
0x1a: {  	_ =	swait.ge [sflag:s24], $0x1  }
0x1b: {  	[sflag:s24] =	ssyncset.done $0x0  }
0x1c: {  	s26 =	simm.s32 $0x1B8E;
	s25 =	sld [smem:$0x3FFE];
	[sflag:s24] =	ssyncadd.s32 $0xFFFFFFFF  }
0x1d: {  	s27 =	simm.s32 $execute0_lowered;
	[smem:$0x3FD2] =	sst s26  }
0x1e: {  	s5 =	sshll.u32 s27, $0x1;
	_ =	strace $0x80000046;
	[dreg:$0x1] =	wrdreg $0xFFFFFFFF  }
0x1f: {  	s28 =	simm.s32 $_size_execute0_lowered;
	s3 =	sadd.s32 s3, s5;
	[dreg:$0x0] =	wrdreg $0x0  }
0x20: {  	s5 =	sshll.u32 s28, $0x1;
	[dreg:$0x2] =	wrdreg s3  }
0x21: {  	[dreg:$0x3] =	wrdreg s5  }
0x22: {  	[dreg:$0x4] =	wrdreg $0xC0  }
0x23: {  	_ =	task [dreg:s7], $0x5FFFF  }
0x24: {  	[dreg:$0x1] =	wrdreg $0xFFFFFFFF  }
0x25: {  	[dreg:$0x0] =	wrdreg $0x60  }
0x26: {  	[dreg:$0x2] =	wrdreg s2  }
0x27: {  	[dreg:$0x3] =	wrdreg s25  }
0x28: {  	[dreg:$0x4] =	wrdreg $0x9  }
0x29: {  	_ =	task.clear_ibuf [dreg:s7], $0x5FFFF;
	_ =	strace $0x90000046  }
0x2a: {  	s29 =	simm.s32 $0x9;
	_ =	strace $0x80000048  }
0x2b: {  	_ =	swait.ge [sflag:s29], $0x1  }
0x2c: {  	[sflag:s29] =	ssyncadd.s32 $0xFFFFFFFF  }
0x2d: {  	_ =	strace $0x90000048  }
0x2e: {  	_ =	sfence  }
0x2f: {  	s30 =	sld [smem:$0x0];
	_ =	sdelay $0x2  }
0x30: {  	s31 =	sshll.u32 s1, $0xD;
	s1 =	sshrl.u32 s1, $0x2  }
0x31: {  	s3 =	sand.u32 $0x4000, s31;
	s1 =	sadd.s32 s1, s30  }
0x32: {  	s0 =	sor.u32 s3, s0;
	s1 =	sshll.u32 s1, $0x11  }
0x33: {  	s0 =	sor.u32 s1, s0  }
0x34: {  	s0 =	sadd.s32 $0x8F2B, s0  }
0x35: {  	[sflag:s0] =	ssyncadd.remote.s32 $0x1  }
0x36: {  	_ =	sfence.sel $0xFFFF  }
0x37: {  	[dreg:$0x0] =	wrdreg $0xFFFFFFFF;
	(pc) =	sbr.abs _section_cstart, $3  }
0x38: {  	[dreg:$0x1] =	wrdreg $0xFFFFFFFF  }
0x39: {  	_ =	task.clear_ibuf [dreg:s7], $0x2FFFF;
	_ =	strace $0x9FFFFFFF  }
0x3a: {  	(tm) =	ssettm $0x7FFFFFFF  }
0x3b: {  	_ =	shalt  }
tec
execute0_lowered:
.L_overlay_start_1:
0x0: {  	(tag) =	ssettag $0x1  }
0x1: {  	s0 =	srdreg.scid;
	s2 =	rddreg [dreg:$0x0]  }
0x2: {  	s5 =	rddreg [dreg:$0x1];
	s1 =	stileid.u32  }
0x3: {  	s4 =	simm.s32 $0x1;
	s6 =	simm.s32 $0x2;
	s15 =	simm.s32 $0x0  }
0x4: {  	p0 =	por $0x0, $0x0;
	s8 =	simm.s32 $0x80;
	s0 =	sshll.u32 s0, $0x4  }
0x5: {  	s14 =	simm.s32 $0x0;
	s9 =	simm.s32 $0x0;
	s3 =	sand.u32 $0x10, s0  }
.Ltmp0:
0x6: {  	s10 =	simm.s32 $0x0;
	s3 =	sor.u32 s1, s3;
	(pc) =	sbr.rel .LBB1_1-.Ltmp0, $4  }
0x7: {  	s0 =	rddreg [dreg:$0x2];
	_ =	strace $0x80000047;
	s3 =	sshll.u32 s3, $0x7  }
0x8: {  	s12 =	simm.s32 $0x0;
	[sflag:s4] =	ssyncpa.u1 $0x0;
	s7 =	ssub.s32 $0xF4200, s3  }
0x9: {  	s13 =	simm.s32 $0x0;
	[sflag:s6] =	ssyncpa.u1 $0x0;
	s6 =	sshrl.u32 s7, $0xC  }
0xa: {  	s5 =	sadd.s32 $0xE00, s5;
	s11 =	smov.u32 s3;
	s7 =	sadd.s32 $0x2, s6  }
.LBB1_5:
0xb: {  	p1 =	slt.u32 s13, $0x2  }
0xc: {  	s17 =	smov.u32 s15;
	p2 =	sgt.s32 @!p1 s15, $0xF41C8;
	s16 =	sshra.s32 @!p1 s15, $0x1F  }
0xd: {  	p3 =	sgt.s32 @!p1 s14, $0x40;
	s18 =	sshra.s32 @!p1 s14, $0x1F;
	p2 =	por !p2, p1  }
0xe: {  	s15 =	sand.u32 @!p1 s16, s15;
	p3 =	por !p3, p1;
	s16 =	smov.u32 s14  }
0xf: {  	s14 =	sand.u32 @!p1 s18, s14;
	s17 =	simm.s32 @p2 $0xF41C8;
	s16 =	simm.s32 @p3 $0x40  }
0x10: {  	s15 =	ssub.s32 @!p1 s17, s15;
	s14 =	ssub.s32 @!p1 s16, s14  }
0x11: {  	s18 =	smov.u32 s12;
	s16 =	sadd.s32 @!p1 $0xFFF0BE38, s15;
	s17 =	sadd.s32 @!p1 $0xFFFFFFC0, s14  }
0x12: {  	s15 =	ssub.s32 @!p1 $0xF4248, s15;
	p2 =	sgt.s32 @!p1 s16, $0x7F;
	p3 =	sgt.s32 @!p1 s17, $0x3F  }
0x13: {  	s14 =	ssub.s32 @!p1 $0x80, s14;
	p2 =	por !p2, p1;
	p3 =	por !p3, p1  }
0x14: {  	s16 =	sadd.s32 $0x1000, s11;
	s15 =	simm.s32 @!p2 $0x0;
	s14 =	simm.s32 @!p3 $0x0  }
0x15: {  	p2 =	sgt.s32 s16, $0xF4240;
	s14 =	smul.u32 @!p1 s14, s15;
	s15 =	sadd.s32 $0x40, s12  }
0x16: {  	s18 =	smov.u32 @p2 s15  }
0x17: {  	s16 =	smov.u32 @p2 s3;
	p2 =	sgt.s32 s18, $0x3F  }
0x18: {  	s18 =	simm.s32 @p2 $0x0;
	p2 =	sne.s32 s13, s7  }
.Ltmp1:
0x19: {  	p0 =	por !p0, !p0;
	s17 =	simm.s32 @!p1 $0x2;
	(pc) =	sbr.rel @!p2 .LBB1_6-.Ltmp1, $4  }
0x1a: {  	s15 =	smov.u32 s9;
	s9 =	smov.u32 s11;
	s14 =	sand.u32 @!p1 $0x3FFFFFFF, s14  }
0x1b: {  	s11 =	smov.u32 s16;
	_ =	swait.ge @!p1 [sflag:s17], s14;
	s19 =	ssub.s32 @!p1 $0x0, s14  }
0x1c: {  	s14 =	smov.u32 s10;
	s13 =	sadd.s32 $0x1, s13;
	[sflag:s17] =	ssyncset.done @!p1 $0x0  }
0x1d: {  	s10 =	smov.u32 s12;
	s12 =	smov.u32 s18;
	[sflag:s17] =	ssyncadd.s32 @!p1 s19  }
.LBB1_1:
0x1e: {  	p1 =	sgt.u32 s13, s6  }
0x1f: {  	s16 =	sshrl.u32 @!p1 s12, $0x3  }
0x20: {  	s17 =	sshll.u32 @!p1 s11, $0x3;
	s16 =	smul.u32 @!p1 $0x7A1400, s16  }
0x21: {  	s18 =	sshll.u32 @!p1 s12, $0x7;
	s17 =	sand.u32 @!p1 $0xFFFFFC00, s17  }
0x22: {  	s16 =	sadd.s32 @!p1 s16, s17;
	s17 =	sand.u32 @!p1 $0x380, s18  }
0x23: {  	s18 =	sand.u32 @!p1 $0x7F, s11;
	s16 =	sor.u32 @!p1 s17, s16  }
0x24: {  	s17 =	sor.u32 @!p1 s18, s16  }
0x25: {  	s18 =	smulhi.u32 @!p1 $0x218D6287, s17;
	_ =	sdelay $0x1  }
0x26: {  	s16 =	smulhi.u32 @!p1 $0x218D6287, s16;
	s18 =	sshrl.u32 @!p1 s18, $0x11  }
0x27: {  	s18 =	smul.u32 @!p1 $0xF4280, s18  }
0x28: {  	s19 =	sxor.u32 @!p1 $0xFFFFFFFF, s13;
	s16 =	sshrl.u32 @!p1 s16, $0x11  }
0x29: {  	s19 =	sshll.u32 @!p1 s19, $0xD;
	s16 =	sand.u32 @!p1 $0x3F, s16;
	s17 =	ssub.s32 @!p1 s17, s18  }
0x2a: {  	s16 =	smul.u32 @!p1 $0x1E850, s16;
	s18 =	sshrl.u32 @!p1 s17, $0x3;
	s17 =	sand.u32 @!p1 $0x7, s17  }
0x2b: {  	s19 =	sand.u32 @!p1 $0x2000, s19;
	s18 =	sadd.s32 @!p1 s2, s18;
	s17 =	sshll.u32 @!p1 s17, $0x12  }
0x2c: {  	s16 =	sadd.s32 @!p1 s16, s18;
	s17 =	sor.u32 @!p1 $0x400, s17;
	s18 =	simm.s32 @!p1 $0x7A1400  }
0x2d: {  	[tilespmem:s19], [sflag:$0x1] =	stream.strided.gather @!p1 [hbm4b:s16+s17], $0x2000, s18, s17, $0x38;
	[tilespmem:$0x8100] =	vst v63  }
0x2e: {  	p1 =	seq.s32 s13, $0x0  }
0x2f: {  	p2 =	sge.u32 @!p1 s13, s7  }
0x30: {  	p1 =	por p1, p2  }
.Ltmp2:
0x31: {  	_ = 	snop;
	(pc) =	sbr.rel @p1 .LBB1_5-.Ltmp2, $1  }
0x32: {  	_ =	sdelay $0x3  }
0x33: {  	s16 =	simm.s32 $0x1  }
0x34: {  	_ =	swait.ge [sflag:s4], $0x2000;
	s16 =	simm.s32 @!p0 $0x0  }
0x35: {  	[sflag:s4] =	ssyncset.done $0x0;
	s17 =	sshll.u32 s16, $0xD  }
0x36: {  	[sflag:s4] =	ssyncadd.s32 $0xFFFFE000;
	s17 =	sor.u32 $0x40, s17  }
0x37: {  	s16 =	smul.u32 $0x8200, s16;
	v0 =	vld [tilespmem:s17+$0x30]  }
0x38: {  	v1 =	vld [tilespmem:s17+$0xFFFFFFD0]  }
0x39: {  	s16 =	sshrl.u32 s16, $0x2;
	v5 =	vld [tilespmem:s17+$0xFFFFFFE0]  }
0x3a: {  	v6 =	vld [tilespmem:s17+$0xFFFFFFF0];
	s19 =	sor.u32 $0x4000, s16  }
0x3b: {  	s31 =	sand.u32 $0x1, s13;
	v4 =	vld [tilespmem:s17+$0x0];
	s18 =	sadd.s32 $0x0, s19  }
0x3c: {  	v3 =	vld [tilespmem:s17+$0x10];
	s16 =	smul.u32 $0x8200, s31;
	[tilespmem:s18+$0x1C70 ss:$0x41] =	vst.msk $0xffff, v0  }
0x3d: {  	v2 =	vld [tilespmem:s17+$0x20];
	[tilespmem:s18+$0x410 ss:$0x41] =	vst.msk $0xffff, v1  }
0x3e: {  	s16 =	sshrl.u32 s16, $0x2;
	v1 =	vld [tilespmem:s17+$0xFFFFFFC0];
	[tilespmem:s18+$0x820 ss:$0x41] =	vst.msk $0xffff, v5;
	s17 =	sadd.s32 $0x80, s17  }
0x3f: {  	s20 =	simm.s32 $0x4;
	s21 =	simm.s32 $0x8;
	s16 =	sor.u32 $0x4000, s16;
	[tilespmem:s18+$0xC30 ss:$0x41] =	vst.msk $0xffff, v6;
	v0 =	vld [tilespmem:s17+$0x30]  }
.LBB1_3:
0x40: {  	p1 =	sne.s32 s21, $0xFC;
	v5 =	vld [tilespmem:s17+$0xFFFFFFD0];
	[tilespmem:s18+$0x1040 ss:$0x41] =	vst.msk $0xffff, v4  }
0x41: {  	v6 =	vld [tilespmem:s17+$0xFFFFFFE0];
	[tilespmem:s18+$0x1450 ss:$0x41] =	vst.msk $0xffff, v3  }
0x42: {  	s22 =	sshra.s32 s20, $0x2;
	s20 =	smov.u32 s21;
	v7 =	vld [tilespmem:s17+$0xFFFFFFF0];
	[tilespmem:s18+$0x1860 ss:$0x41] =	vst.msk $0xffff, v2  }
.Ltmp3:
0x43: {  	v4 =	vld [tilespmem:s17+$0x0];
	[tilespmem:s18+$0x0 ss:$0x41] =	vst.msk $0xffff, v1;
	s18 =	sadd.s32 s22, s19;
	(pc) =	sbr.rel @p1 .LBB1_3-.Ltmp3, $4  }
0x44: {  	v3 =	vld [tilespmem:s17+$0x10];
	[tilespmem:s18+$0x1C70 ss:$0x41] =	vst.msk $0xffff, v0  }
0x45: {  	[tilespmem:s18+$0x410 ss:$0x41] =	vst.msk $0xffff, v5;
	v2 =	vld [tilespmem:s17+$0x20]  }
0x46: {  	v1 =	vld [tilespmem:s17+$0xFFFFFFC0];
	[tilespmem:s18+$0x820 ss:$0x41] =	vst.msk $0xffff, v6;
	s17 =	sadd.s32 $0x80, s17  }
0x47: {  	s21 =	sadd.s32 $0x4, s21;
	v0 =	vld [tilespmem:s17+$0x30];
	[tilespmem:s18+$0xC30 ss:$0x41] =	vst.msk $0xffff, v7  }
0x48: {  	s21 =	sshll.u32 s9, $0x7;
	s22 =	sshll.u32 s10, $0x3;
	s20 =	sshra.s32 s20, $0x2  }
0x49: {  	p1 =	sgt.s32 s9, $0xF41C8;
	s30 =	sshra.s32 s9, $0x1F;
	s25 =	sshra.s32 s10, $0x1F  }
0x4a: {  	v5 =	vld [tilespmem:s17+$0xFFFFFFD0];
	s28 =	sshrl.u32 s10, $0x3;
	s23 =	sand.u32 $0xFFFFFC00, s21;
	s22 =	sand.u32 $0xFFFFFC00, s22  }
0x4b: {  	[tilespmem:s18+$0x1040 ss:$0x41] =	vst.msk $0xffff, v4;
	v58 =	vld [tilespmem:s17+$0xFFFFFFE0];
	s21 =	sand.u32 $0x380, s21;
	s19 =	sadd.s32 s20, s19;
	s22 =	sadd.s32 s22, s23  }
0x4c: {  	v59 =	vld [tilespmem:s17+$0xFFFFFFF0];
	[tilespmem:s18+$0x1450 ss:$0x41] =	vst.msk $0xffff, v3;
	s29 =	sor.u32 s21, s22;
	s21 =	smov.u32 s9;
	s22 =	sand.u32 s30, s9  }
0x4d: {  	v60 =	vld [tilespmem:s17+$0x0];
	[tilespmem:s18+$0x1860 ss:$0x41] =	vst.msk $0xffff, v2;
	s30 =	sand.u32 $0x7, s10;
	s20 =	sshrl.u32 s29, $0x7;
	s21 =	simm.s32 @!p1 $0xF41C8  }
0x4e: {  	v61 =	vld [tilespmem:s17+$0x10];
	[tilespmem:s18+$0x0 ss:$0x41] =	vst.msk $0xffff, v1;
	p1 =	sgt.s32 s10, $0x40;
	s24 =	ssub.s32 s21, s22;
	s21 =	smov.u32 s10  }
0x4f: {  	v62 =	vld [tilespmem:s17+$0x20];
	[tilespmem:s19+$0x1C70 ss:$0x41] =	vst.msk $0xffff, v0;
	s31 =	smulhi.u32 $0x218DDDB, s20;
	s22 =	sand.u32 s25, s10;
	s21 =	simm.s32 @!p1 $0x40  }
0x50: {  	v63 =	vld [tilespmem:s17+$0xFFFFFFC0];
	[tilespmem:s19+$0x410 ss:$0x41] =	vst.msk $0xffff, v5;
	s26 =	sadd.s32 $0xFFF0BE38, s24;
	s17 =	ssub.s32 $0xF4248, s24;
	s21 =	ssub.s32 s21, s22  }
0x51: {  	[tilespmem:s19+$0x820 ss:$0x41] =	vst.msk $0xffff, v58;
	s23 =	sshrl.u32 s31, $0xD;
	p1 =	sgt.s32 s26, $0x7F;
	s27 =	sadd.s32 $0xFFFFFFC0, s21  }
0x52: {  	[tilespmem:s19+$0xC30 ss:$0x41] =	vst.msk $0xffff, v59;
	s23 =	smul.u32 $0xF4248, s23;
	s18 =	ssub.s32 $0x80, s21;
	p2 =	sgt.s32 s27, $0x3F  }
.Ltmp4:
0x53: {  	[tilespmem:s19+$0x1040 ss:$0x41] =	vst.msk $0xffff, v60;
	s17 =	simm.s32 @p1 $0x0;
	s18 =	simm.s32 @p2 $0x0;
	(pc) =	sbr.rel .LBB1_5-.Ltmp4, $4  }
0x54: {  	s29 =	sand.u32 $0xF, s28;
	[tilespmem:s19+$0x1450 ss:$0x41] =	vst.msk $0xffff, v61;
	s20 =	ssub.s32 s20, s23;
	s17 =	smul.u32 s18, s17  }
0x55: {  	[tilespmem:s19+$0x1860 ss:$0x41] =	vst.msk $0xffff, v62;
	s21 =	sshll.u32 s30, $0x12;
	s20 =	sshll.u32 s20, $0x4;
	s18 =	sadd.s32 s5, s29  }
0x56: {  	[tilespmem:s19+$0x0 ss:$0x41] =	vst.msk $0xffff, v63;
	s31 =	sor.u32 $0x40, s21;
	s18 =	sadd.s32 s20, s18;
	s17 =	sand.u32 $0x3FFFFFFF, s17  }
0x57: {  	[hbm4b:s18+s31] =	stream.strided.scatter [tilespmem:s16], [sflag:$0x2], s17, s8, s31, $0x18;
	[tilespmem:$0x8100] =	vst v63  }
.LBB1_6:
0x58: {  	_ =	sfence.sel $0x180000  }
0x59: {  	s2 =	simm.s32 $0x1;
	[bflag:$0x0] =	sbarrier.arrive $0xFFFF  }
0x5a: {  	s31 =	simm.s32 $0x2;
	[sflag:s2] =	ssyncpa.u1 $0x1  }
0x5b: {  	[sflag:s31] =	ssyncpa.u1 $0x1  }
0x5c: {  	p0 =	sne.s32 s1, $0x0;
	_ =	strace $0x90000047  }
0x5d: {  	s0 =	sadd.s32 @!p0 $0x100000, s0;
	[bflag:$0x2] =	sbarrier.arrive $0xFFFF  }
0x5e: {  	[sflag:s0] =	ssyncadd.tile.s32 @!p0 $0x1;
	_ =	shalt  }
.Lfunc_end1:
_tile_overlayer_lowered:
.L_overlay_start_2:
0x5f: {  	(tag) =	ssettag $0x2  }
0x60: {  	s0 =	rddreg [dreg:$0x0];
	s2 =	stileid.u32  }
0x61: {  	s1 =	rddreg [dreg:$0x1];
	p0 =	sne.s32 s2, $0x0  }
0x62: {  	s3 =	rddreg [dreg:$0x2];
	[bflag:$0x3] =	sbarrier.arrive $0xFFFF;
	s2 =	simm.s32 @!p0 $0x1C01  }
0x63: {  	[timem:s3], [sflag:s2] =	dma.local @!p0 [hbm:s0], s1  }
0x64: {  	s0 =	simm.s32 @!p0 $0x1  }
0x65: {  	_ =	swait.ge @!p0 [sflag:s0], s1  }
0x66: {  	s1 =	ssub.s32 @!p0 $0x0, s1;
	[sflag:s0] =	ssyncset.done @!p0 $0x0  }
0x67: {  	[sflag:s0] =	ssyncadd.s32 @!p0 s1  }
0x68: {  	[bflag:$0x3] =	sbarrier.arrive $0xFFFF  }
0x69: {  	_ =	shalt  }

// kernel: sparse-core-data-format-call.cloned.1.call-start
scs
called_computation_lowered:
.L_overlay_start_0:
0x0: {  	s2 =	sld [smem:$0x3FD9]  }
0x1: {  	s3 =	sld [smem:$0x3FFE];
	_ =	sdelay $0x1  }
0x2: {  	s1 =	srdreg.scid  }
0x3: {  	s0 =	sand.u32 $0x1, s1  }
0x4: {  	s18 =	sshll.u32 s0, $0xA;
	s2 =	sadd.s32 s3, s2  }
0x5: {  	s2 =	sadd.s32 s2, s18  }
0x6: {  	[smem:$0x3FC6] =	sst s2  }
0x7: {  	_ = 	snop  }
0x8: {  	s2 =	sld [smem:$0x3FD0];
	(tm) =	ssettm $0x1  }
0x9: {  	s19 =	sld [smem:$0x3FFB];
	_ =	sdelay $0x3  }
0xa: {  	_ =	strace s19  }
0xb: {  	s3 =	sld [smem:$0x3FFC];
	_ =	sdelay $0x3  }
0xc: {  	_ =	strace s3  }
0xd: {  	s3 =	sld [smem:$0x3FFD];
	_ =	sdelay $0x3  }
0xe: {  	_ =	strace s3  }
0xf: {  	_ =	strace $0x8FFFFFFF  }
0x10: {  	s20 =	sld [smem:$0x3FDB];
	_ =	sdelay $0x1  }
0x11: {  	s4 =	simm.s32 $_scs_section_size  }
0x12: {  	s5 =	simm.s32 $_size__tile_overlayer_lowered;
	s6 =	simm.s32 $_tile_overlayer_lowered  }
0x13: {  	s23 =	simm.s32 $0x1BFF;
	s22 =	sshll.u32 s6, $0x1;
	s3 =	sadd.s32 s4, s20  }
0x14: {  	s7 =	simm.s32 $0x0;
	s21 =	sshll.u32 s5, $0x1;
	s5 =	sadd.s32 s22, s3  }
0x15: {  	[timem:s7], [sflag:s23] =	dma.local [hbm:s5], s21  }
0x16: {  	_ =	swait.ge [sflag:s23], s21  }
0x17: {  	s4 =	ssub.s32 $0x0, s21;
	[sflag:s23] =	ssyncset.done $0x0  }
0x18: {  	[sflag:s23] =	ssyncadd.s32 s4;
	_ =	sdelay $0x1  }
0x19: {  	s24 =	simm.s32 $0x1B8B  }
0x1a: {  	_ =	swait.ge [sflag:s24], $0x1  }
0x1b: {  	[sflag:s24] =	ssyncset.done $0x0  }
0x1c: {  	s26 =	simm.s32 $0x1B8E;
	s25 =	sld [smem:$0x3FFE];
	[sflag:s24] =	ssyncadd.s32 $0xFFFFFFFF  }
0x1d: {  	s27 =	simm.s32 $execute0_lowered;
	[smem:$0x3FD2] =	sst s26  }
0x1e: {  	s5 =	sshll.u32 s27, $0x1;
	_ =	strace $0x8000004C;
	[dreg:$0x1] =	wrdreg $0xFFFFFFFF  }
0x1f: {  	s28 =	simm.s32 $_size_execute0_lowered;
	s3 =	sadd.s32 s3, s5;
	[dreg:$0x0] =	wrdreg $0x0  }
0x20: {  	s5 =	sshll.u32 s28, $0x1;
	[dreg:$0x2] =	wrdreg s3  }
0x21: {  	[dreg:$0x3] =	wrdreg s5  }
0x22: {  	[dreg:$0x4] =	wrdreg $0xC0  }
0x23: {  	_ =	task [dreg:s7], $0x5FFFF  }
0x24: {  	[dreg:$0x1] =	wrdreg $0xFFFFFFFF  }
0x25: {  	[dreg:$0x0] =	wrdreg $0x60  }
0x26: {  	[dreg:$0x2] =	wrdreg s25  }
0x27: {  	[dreg:$0x3] =	wrdreg s2  }
0x28: {  	[dreg:$0x4] =	wrdreg $0x9  }
0x29: {  	_ =	task.clear_ibuf [dreg:s7], $0x5FFFF;
	_ =	strace $0x9000004C  }
0x2a: {  	s29 =	simm.s32 $0x9;
	_ =	strace $0x8000004E  }
0x2b: {  	_ =	swait.ge [sflag:s29], $0x1  }
0x2c: {  	[sflag:s29] =	ssyncadd.s32 $0xFFFFFFFF  }
0x2d: {  	_ =	strace $0x9000004E  }
0x2e: {  	_ =	sfence  }
0x2f: {  	s30 =	sld [smem:$0x0];
	_ =	sdelay $0x2  }
0x30: {  	s31 =	sshll.u32 s1, $0xD;
	s1 =	sshrl.u32 s1, $0x2  }
0x31: {  	s3 =	sand.u32 $0x4000, s31;
	s1 =	sadd.s32 s1, s30  }
0x32: {  	s0 =	sor.u32 s3, s0;
	s1 =	sshll.u32 s1, $0x11  }
0x33: {  	s0 =	sor.u32 s1, s0  }
0x34: {  	s0 =	sadd.s32 $0x8F2B, s0  }
0x35: {  	[sflag:s0] =	ssyncadd.remote.s32 $0x1  }
0x36: {  	_ =	sfence.sel $0xFFFF  }
0x37: {  	[dreg:$0x0] =	wrdreg $0xFFFFFFFF;
	(pc) =	sbr.abs _section_cstart, $3  }
0x38: {  	[dreg:$0x1] =	wrdreg $0xFFFFFFFF  }
0x39: {  	_ =	task.clear_ibuf [dreg:s7], $0x2FFFF;
	_ =	strace $0x9FFFFFFF  }
0x3a: {  	(tm) =	ssettm $0x7FFFFFFF  }
0x3b: {  	_ =	shalt  }
tec
execute0_lowered:
.L_overlay_start_1:
0x0: {  	(tag) =	ssettag $0x1  }
0x1: {  	s0 =	srdreg.scid  }
0x2: {  	s1 =	sshll.u32 s0, $0x4  }
0x3: {  	s0 =	stileid.u32;
	s1 =	sand.u32 $0x10, s1  }
0x4: {  	s1 =	sor.u32 s0, s1  }
0x5: {  	s6 =	rddreg [dreg:$0x0];
	s4 =	simm.s32 $0x1;
	s2 =	sshll.u32 s1, $0x7  }
0x6: {  	s7 =	simm.s32 $0x2;
	s12 =	simm.s32 $0x0;
	s1 =	ssub.s32 $0x1000, s2  }
0x7: {  	s8 =	simm.s32 $0x8000;
	s13 =	simm.s32 $0x0;
	s3 =	sand.u32 $0xF80, s1  }
0x8: {  	s9 =	simm.s32 $0x0;
	s5 =	sshrl.u32 s1, $0xC;
	p0 =	sne.s32 s3, $0x0  }
.Ltmp0:
0x9: {  	s1 =	rddreg [dreg:$0x2];
	s4 =	simm.s32 @!p0 $0x0;
	(pc) =	sbr.rel .LBB1_1-.Ltmp0, $4  }
0xa: {  	s11 =	simm.s32 $0x0;
	s3 =	rddreg [dreg:$0x1];
	s5 =	sadd.s32 s4, s5  }
0xb: {  	_ =	strace $0x8000004D;
	s4 =	simm.s32 $0x1;
	s5 =	smul.u32 $0xC8, s5  }
0xc: {  	s6 =	sadd.s32 $0xE00, s6;
	s10 =	smov.u32 s2;
	[sflag:s4] =	ssyncpa.u1 $0x0  }
0xd: {  	p0 =	por $0x0, $0x0;
	[sflag:s7] =	ssyncpa.u1 $0x0;
	s7 =	sor.u32 $0x1, s5  }
.LBB1_4:
0xe: {  	s16 =	sshll.u32 s13, $0x3;
	s17 =	sand.u32 $0x78, s13  }
0xf: {  	s30 =	sand.u32 $0x7E00, s13;
	s12 =	sshll.u32 s12, $0xF;
	s16 =	sand.u32 $0xC00, s16  }
0x10: {  	[tilespmem:s15+$0x810 ss:$0x81] =	vst.msk $0xffff, v2;
	s31 =	sand.u32 $0x7, s13;
	s16 =	sor.u32 s17, s16;
	s17 =	sadd.s32 s3, s30  }
0x11: {  	[tilespmem:s15+$0x1020 ss:$0x81] =	vst.msk $0xffff, v0;
	s13 =	sshll.u32 s31, $0x12;
	s12 =	sadd.s32 s12, s17;
	s16 =	sshrl.u32 s16, $0x3  }
0x12: {  	[tilespmem:s15+$0x0 ss:$0x81] =	vst.msk $0xffff, v1;
	s13 =	sor.u32 $0x400, s13;
	s12 =	sadd.s32 s16, s12  }
0x13: {  	[hbm4b:s12+s13] =	stream.strided.scatter [tilespmem:s14], [sflag:$0x2], $0x2000, s8, s13, $0x20;
	[tilespmem:$0x8080] =	vst v63  }
.LBB1_5:
0x14: {  	s14 =	sadd.s32 $0x1, s9  }
0x15: {  	s12 =	sadd.s32 $0x1000, s10;
	s16 =	smov.u32 s10;
	p2 =	sgt.s32 s14, $0xC7  }
0x16: {  	s16 =	smov.u32 @p2 s12  }
0x17: {  	s14 =	simm.s32 @p2 $0x0;
	p2 =	sgt.s32 s16, $0xFFF  }
0x18: {  	s16 =	smov.u32 @p2 s2;
	p2 =	sne.s32 s11, s7  }
.Ltmp1:
0x19: {  	p1 =	slt.u32 s11, $0x2;
	(pc) =	sbr.rel @!p2 .LBB1_6-.Ltmp1, $4  }
0x1a: {  	s15 =	simm.s32 @!p1 $0x2  }
0x1b: {  	s13 =	smov.u32 s10;
	p0 =	por !p0, !p0;
	_ =	swait.ge @!p1 [sflag:s15], $0x2000  }
0x1c: {  	s12 =	smov.u32 s9;
	[sflag:s15] =	ssyncset.done @!p1 $0x0;
	s9 =	smov.u32 s14  }
0x1d: {  	s11 =	sadd.s32 $0x1, s11;
	[sflag:s15] =	ssyncadd.s32 @!p1 $0xFFFFE000;
	s10 =	smov.u32 s16  }
.LBB1_1:
0x1e: {  	p1 =	sge.u32 s11, s5  }
0x1f: {  	s14 =	sand.u32 @!p1 $0x1FFFFFF, s9  }
0x20: {  	s15 =	smulhi.u32 @!p1 $0x147AE15, s14;
	_ =	sdelay $0x1  }
0x21: {  	s15 =	smul.u32 @!p1 $0xC8, s15  }
0x22: {  	s16 =	sxor.u32 @!p1 $0xFFFFFFFF, s11;
	s17 =	smul.u32 @!p1 $0xC80, s10  }
0x23: {  	s31 =	sadd.s32 $0xFFFFFFFF, s11;
	s16 =	sshll.u32 @!p1 s16, $0xD;
	s14 =	ssub.s32 @!p1 s14, s15  }
0x24: {  	s15 =	sand.u32 @!p1 $0x2000, s16;
	s16 =	sadd.s32 @!p1 s6, s17;
	s14 =	sshll.u32 @!p1 s14, $0x4  }
0x25: {  	s17 =	simm.s32 @!p1 $0x6400;
	s14 =	sadd.s32 @!p1 s14, s16;
	s16 =	simm.s32 @!p1 $0x40  }
0x26: {  	[tilespmem:s15], [sflag:$0x1] =	stream.strided.gather @!p1 [hbm4b:s14+s16], $0x2000, s17, s16, $0x38;
	[tilespmem:$0x8080] =	vst v63  }
0x27: {  	p1 =	sge.u32 s31, s5  }
.Ltmp2:
0x28: {  	_ = 	snop;
	(pc) =	sbr.rel @p1 .LBB1_5-.Ltmp2, $1  }
0x29: {  	_ =	sdelay $0x3  }
0x2a: {  	s14 =	simm.s32 $0x1  }
0x2b: {  	_ =	swait.ge [sflag:s4], $0x2000;
	s14 =	simm.s32 @!p0 $0x0  }
0x2c: {  	[sflag:s4] =	ssyncset.done $0x0;
	s15 =	sshll.u32 s14, $0xD  }
0x2d: {  	[sflag:s4] =	ssyncadd.s32 $0xFFFFE000;
	s18 =	sor.u32 $0x20, s15  }
0x2e: {  	s14 =	smul.u32 $0x8100, s14;
	v3 =	vld [tilespmem:s18+$0x10]  }
0x2f: {  	s30 =	sand.u32 $0x1, s11;
	v2 =	vld [tilespmem:s18+$0xFFFFFFF0]  }
0x30: {  	s15 =	smul.u32 $0x8100, s30;
	s14 =	sshrl.u32 s14, $0x2;
	v0 =	vld [tilespmem:s18+$0x0]  }
0x31: {  	v1 =	vld [tilespmem:s18+$0xFFFFFFE0];
	s16 =	sor.u32 $0x4000, s14  }
0x32: {  	s31 =	sshrl.u32 s15, $0x2;
	s15 =	sadd.s32 $0x0, s16  }
0x33: {  	s17 =	simm.s32 $0x4;
	s18 =	sadd.s32 $0x40, s18;
	s14 =	sor.u32 $0x4000, s31;
	[tilespmem:s15+$0x1830 ss:$0x81] =	vst.msk $0xffff, v3  }
.LBB1_3:
0x34: {  	v3 =	vld [tilespmem:s18+$0x10];
	p1 =	sne.s32 s17, $0x1FC;
	[tilespmem:s15+$0x810 ss:$0x81] =	vst.msk $0xffff, v2;
	s19 =	smov.u32 s17;
	s17 =	sadd.s32 $0x4, s17  }
.Ltmp3:
0x35: {  	v2 =	vld [tilespmem:s18+$0xFFFFFFF0];
	[tilespmem:s15+$0x1020 ss:$0x81] =	vst.msk $0xffff, v0;
	(pc) =	sbr.rel @p1 .LBB1_3-.Ltmp3, $4  }
0x36: {  	v0 =	vld [tilespmem:s18+$0x0];
	[tilespmem:s15+$0x0 ss:$0x81] =	vst.msk $0xffff, v1  }
0x37: {  	s15 =	sshra.s32 s19, $0x2;
	v1 =	vld [tilespmem:s18+$0xFFFFFFE0]  }
0x38: {  	s15 =	sadd.s32 s15, s16  }
0x39: {  	s18 =	sadd.s32 $0x40, s18;
	[tilespmem:s15+$0x1830 ss:$0x81] =	vst.msk $0xffff, v3  }
.Ltmp4:
0x3a: {  	_ = 	snop;
	(pc) =	sbr.rel .LBB1_4-.Ltmp4, $1  }
0x3b: {  	_ =	sdelay $0x3  }
.LBB1_6:
0x3c: {  	_ =	sfence.sel $0x180000  }
0x3d: {  	s2 =	simm.s32 $0x1;
	[bflag:$0x0] =	sbarrier.arrive $0xFFFF  }
0x3e: {  	s31 =	simm.s32 $0x2;
	[sflag:s2] =	ssyncpa.u1 $0x1  }
0x3f: {  	[sflag:s31] =	ssyncpa.u1 $0x1  }
0x40: {  	p0 =	sne.s32 s0, $0x0;
	_ =	strace $0x9000004D  }
0x41: {  	s0 =	sadd.s32 @!p0 $0x100000, s1;
	[bflag:$0x2] =	sbarrier.arrive $0xFFFF  }
0x42: {  	[sflag:s0] =	ssyncadd.tile.s32 @!p0 $0x1;
	_ =	shalt  }
.Lfunc_end1:
_tile_overlayer_lowered:
.L_overlay_start_2:
0x43: {  	(tag) =	ssettag $0x2  }
0x44: {  	s0 =	rddreg [dreg:$0x0];
	s2 =	stileid.u32  }
0x45: {  	s1 =	rddreg [dreg:$0x1];
	p0 =	sne.s32 s2, $0x0  }
0x46: {  	s3 =	rddreg [dreg:$0x2];
	[bflag:$0x3] =	sbarrier.arrive $0xFFFF;
	s2 =	simm.s32 @!p0 $0x1C01  }
0x47: {  	[timem:s3], [sflag:s2] =	dma.local @!p0 [hbm:s0], s1  }
0x48: {  	s0 =	simm.s32 @!p0 $0x1  }
0x49: {  	_ =	swait.ge @!p0 [sflag:s0], s1  }
0x4a: {  	s1 =	ssub.s32 @!p0 $0x0, s1;
	[sflag:s0] =	ssyncset.done @!p0 $0x0  }
0x4b: {  	[sflag:s0] =	ssyncadd.s32 @!p0 s1  }
0x4c: {  	[bflag:$0x3] =	sbarrier.arrive $0xFFFF  }
0x4d: {  	_ =	shalt  }

</sc_bundles>
